<compile_context>
chip_gen: v7x
topology: tpu7x:2x2x1
jax: 0.10.2.dev20260603
libtpu: 0.0.44.dev20260713+nightly
codegen_flags: <defaults>
</compile_context>

<pallas_src>
import functools

import numpy as np
import jax
import jax.numpy as jnp
from jax import lax
from jax.experimental import pallas as pl
from jax.experimental.pallas import tpu as pltpu
from jax.experimental.pallas import tpu_sc as plsc

_N1 = 256
_LS = 65536
_W = 1024
_NC = 2
_NS = 16
_NW = _NC * _NS
_CW = 128

_PREC = lax.Precision.DEFAULT


@functools.lru_cache(maxsize=None)
def _dft_consts():
    k = np.arange(_N1, dtype=np.float64)
    ang = -2.0 * np.pi / _N1 * np.outer(k, k)
    dr = np.cos(ang).astype(np.float32)
    di = np.sin(ang).astype(np.float32)
    angt = -2.0 * np.pi / _LS * np.outer(k, k)
    tr = np.cos(angt).astype(np.float32)
    ti = np.sin(angt).astype(np.float32)
    t = np.arange(_W, dtype=np.float64)
    angm = 2.0 * np.pi / _W * np.outer(t, t)
    mr = (np.cos(angm) / _W).astype(np.float32)
    mi = (np.sin(angm) / _W).astype(np.float32)
    btop = np.empty((_W, 2 * _W), np.float32)
    bbot = np.empty((_W, 2 * _W), np.float32)
    btop[:, 0::2] = mr
    btop[:, 1::2] = mi
    bbot[:, 0::2] = -mi
    bbot[:, 1::2] = mr
    return dr, di, tr, ti, btop, bbot


def _fft_body(x_ref, dr_ref, di_ref, tr_ref, ti_ref, er_ref, ei_ref):
    a2 = x_ref[0]
    dr = dr_ref[...]
    di = di_ref[...]
    gr = jnp.dot(dr, a2, precision=_PREC, preferred_element_type=jnp.float32)
    gi = jnp.dot(di, a2, precision=_PREC, preferred_element_type=jnp.float32)
    tr = tr_ref[...]
    ti = ti_ref[...]
    hr = gr * tr - gi * ti
    hi = gr * ti + gi * tr
    er_ref[0] = (jnp.dot(hr, dr, precision=_PREC, preferred_element_type=jnp.float32)
                 - jnp.dot(hi, di, precision=_PREC,
                           preferred_element_type=jnp.float32)).astype(jnp.bfloat16)
    ei_ref[0] = (jnp.dot(hr, di, precision=_PREC, preferred_element_type=jnp.float32)
                 + jnp.dot(hi, dr, precision=_PREC,
                           preferred_element_type=jnp.float32)).astype(jnp.bfloat16)


def _idft_body(zre_ref, zim_ref, g_ref, btop_ref, bbot_ref, o_ref):
    gg = g_ref[...].astype(jnp.bfloat16)
    nsig = zre_ref.shape[0]
    pr = (zre_ref[...] * gg[None]).reshape(nsig * gg.shape[0], gg.shape[1])
    pi = (zim_ref[...] * gg[None]).reshape(nsig * gg.shape[0], gg.shape[1])
    acc = jnp.dot(pr, btop_ref[...], preferred_element_type=jnp.float32)
    acc = acc + jnp.dot(pi, bbot_ref[...], preferred_element_type=jnp.float32)
    o_ref[...] = acc.reshape(o_ref.shape)


def _make_sc_gather(f, width):
    bands_per_w = f // _NW
    half = _W // 2
    mesh = plsc.VectorSubcoreMesh(core_axis_name="c", subcore_axis_name="s",
                                  num_cores=_NC, num_subcores=_NS)

    @functools.partial(
        pl.kernel,
        out_type=jax.ShapeDtypeStruct((f, _W, width), jnp.bfloat16),
        mesh=mesh,
        compiler_params=pltpu.CompilerParams(use_tc_tiling_on_sc=False,
                                             needs_layout_passes=False),
        scratch_types=[
            [pltpu.VMEM((16,), jnp.int32) for _ in range(3)],
            [pltpu.VMEM((_W, width), jnp.bfloat16) for _ in range(3)],
            pltpu.SemaphoreType.DMA,
            pltpu.SemaphoreType.DMA,
        ],
    )
    def sc_gather(table_hbm, ix_hbm, out_hbm, tp_vs, win_vs, sem_in, sem_out):
        wid = lax.axis_index("s") * _NC + lax.axis_index("c")
        lane = lax.iota(jnp.int32, 16)
        for j in range(bands_per_w):
            pltpu.sync_copy(ix_hbm.at[wid * bands_per_w + j], tp_vs[j])
        copies = []
        for j in range(bands_per_w):
            tp = jnp.max(jnp.where(lane == 0, tp_vs[j][...], 0))
            copies.append(
                pltpu.async_copy(table_hbm.at[pl.ds(tp, _W)], win_vs[j],
                                 sem_in))
        out_copies = []
        for j in range(bands_per_w):
            band = wid * bands_per_w + j
            copies[j].wait()
            out_copies.append(pltpu.async_copy(
                win_vs[j].at[pl.ds(half, half)],
                out_hbm.at[band, pl.ds(0, half)], sem_out))
            out_copies.append(pltpu.async_copy(
                win_vs[j].at[pl.ds(0, half)],
                out_hbm.at[band, pl.ds(half, half)], sem_out))
        for cp in out_copies:
            cp.wait()

    return sc_gather


def kernel(x, g, win_ix):
    b, c, ls = x.shape
    f, w = g.shape
    bc = b * c
    assert ls == _LS and w == _W

    dr, di, tr, ti, btop, bbot = _dft_consts()

    k2hi = (ls // 2 + _W // 2 + 16 + _N1 - 1) // _N1

    x3 = x.reshape(bc, _N1, _N1)
    full = pl.BlockSpec((_N1, _N1), lambda i: (0, 0))
    ere, eim = pl.pallas_call(
        _fft_body,
        grid=(bc,),
        in_specs=[pl.BlockSpec((1, _N1, _N1), lambda i: (i, 0, 0)),
                  full, full, full, full],
        out_specs=[pl.BlockSpec((1, _N1, _N1), lambda i: (i, 0, 0))] * 2,
        out_shape=[jax.ShapeDtypeStruct((bc, _N1, _N1), jnp.bfloat16)] * 2,
    )(x3, dr, di, tr, ti)

    low = jnp.stack([ere[:, :, :k2hi], eim[:, :, :k2hi]], axis=-1)
    hal = jnp.stack([ere[:, :, _N1 - 2:], eim[:, :, _N1 - 2:]], axis=-1)
    table = low.transpose(2, 1, 0, 3).reshape(k2hi * _N1, bc * 2)
    halo = hal.transpose(2, 1, 0, 3).reshape(2 * _N1, bc * 2)
    tablep = jnp.concatenate([halo, table], axis=0)

    ix = win_ix[:, :16].astype(jnp.int32)
    z = _make_sc_gather(f, bc * 2)(tablep, ix)
    gt = z.reshape(f, w, bc, 2).transpose(2, 3, 0, 1)
    zre, zim = gt[:, 0], gt[:, 1]

    rows = 4
    fullg = pl.BlockSpec((f, w), lambda i: (0, 0))
    fullm = pl.BlockSpec((w, 2 * w), lambda i: (0, 0))
    out = pl.pallas_call(
        _idft_body,
        grid=(bc // rows,),
        in_specs=[pl.BlockSpec((rows, f, w), lambda i: (i, 0, 0)),
                  pl.BlockSpec((rows, f, w), lambda i: (i, 0, 0)),
                  fullg, fullm, fullm],
        out_specs=pl.BlockSpec((rows, f, 2 * w), lambda i: (i, 0, 0)),
        out_shape=jax.ShapeDtypeStruct((bc, f, 2 * w), jnp.float32),
    )(zre, zim, g,
      jnp.asarray(btop).astype(jnp.bfloat16),
      jnp.asarray(bbot).astype(jnp.bfloat16))

    return out.reshape(b, c, f, w, 2)

# --- scband reference (transcript-rebuilt; emitter-appended) ---
"""Pipeline reference for scband-cqtnsgt-81784767250613 (READ-ONLY COPY).

The authoritative reference and input builder live on the scoring server;
editing this copy changes nothing except your own understanding.
"""

import jax, jax.numpy as jnp
import numpy as np

_LS = 65536
_F = 96
_MAXLG = 1024
_FS = 44100.0


def _blackharr(n):
    k = np.arange(n)
    return (0.35872 - 0.48832 * np.cos(k * (2 * np.pi / n))
            + 0.14128 * np.cos(k * (4 * np.pi / n))
            - 0.01168 * np.cos(k * (6 * np.pi / n)))


def _build_windows():
    # Constant-Q frequency-domain windows (NSGT matrix mode):
    # log-spaced center frequencies, window length proportional to bandwidth.
    fbas_hz = np.geomspace(32.7, 16000.0, _F)
    fbas = np.round(fbas_hz / _FS * _LS).astype(np.int64)  # center FFT bin (timepos)
    q = 2.0 ** (1.0 / 12.0) - 1.0  # 12 bins/octave Q factor
    Lgs = np.clip((fbas_hz * q / _FS * _LS * 4.0).astype(np.int64), 16, _MAXLG)
    g_padded = np.zeros((_F, _MAXLG), dtype=np.float32)
    win_ix = np.zeros((_F, _MAXLG), dtype=np.int64)
    for i in range(_F):
        Lg = int(Lgs[i])
        tp = int(fbas[i])
        bh = np.fft.fftshift(_blackharr(Lg))
        win_range = np.arange(-(Lg // 2) + tp, Lg - Lg // 2 + tp, dtype=np.int64) % _LS
        half1 = (Lg + 1) // 2
        # ragged layout: [gl ... zeros ... gr], indices likewise (get_ragged_giis, matrix mode)
        g_padded[i, :half1] = bh[Lg // 2:]
        win_ix[i, :half1] = win_range[Lg // 2:]
        if Lg // 2 > 0:
            g_padded[i, _MAXLG - Lg // 2:] = bh[:Lg // 2]
            win_ix[i, _MAXLG - Lg // 2:] = win_range[:Lg // 2]
    return g_padded, win_ix


def setup_inputs(seed: int = 0) -> dict:
    key = jax.random.key(seed)
    x = jax.random.normal(key, (4, 2, _LS), dtype=jnp.float32)
    g_padded, win_ix = _build_windows()
    return {
        "x": x,
        "g": jnp.asarray(g_padded),
        "win_ix": jnp.asarray(win_ix),
    }


def reference(x, g, win_ix):
    # NSGT/CQT forward (matrix mode):
    # 1) full FFT of signal
    X = jnp.fft.fft(x.astype(jnp.complex64))  # [B, C, Ls]
    # 2) ragged gather of each band's spectral support (per-band win_range -> padded ix)
    gathered = jnp.take(X, win_ix, axis=-1)  # [B, C, F, maxLg]
    # 3) pointwise multiply by padded frequency-domain windows
    prod = gathered * g.astype(jnp.complex64)
    # 4) per-band inverse FFT -> time-frequency coefficients
    coeffs = jnp.fft.ifft(prod, axis=-1)  # [B, C, F, maxLg]
    # return as real tensor (real/imag stacked)
    return jnp.stack([coeffs.real, coeffs.imag], axis=-1).astype(jnp.float32)

if __name__ == "__main__":
    import jax
    _d = setup_inputs()
    print(jax.jit(kernel)(*tuple(_d.values())))

</pallas_src>

<mosaic_0001>
#map = affine_map<(d0, d1) -> (0, 0)>
#map1 = affine_map<(d0, d1) -> (0, 0, 0)>
module attributes {stable_mosaic.version = 14 : i64} {
  func.func @sc_gather(%arg0: i32, %arg1: i32, %arg2: memref<34048x16xbf16, #tpu.memory_space<hbm>>, %arg3: memref<96x16xi32, #tpu.memory_space<hbm>>, %arg4: memref<96x1024x16xbf16, #tpu.memory_space<hbm>>, %arg5: memref<16xi32, #tpu.memory_space<vmem>>, %arg6: memref<16xi32, #tpu.memory_space<vmem>>, %arg7: memref<16xi32, #tpu.memory_space<vmem>>, %arg8: memref<1024x16xbf16, #tpu.memory_space<vmem>>, %arg9: memref<1024x16xbf16, #tpu.memory_space<vmem>>, %arg10: memref<1024x16xbf16, #tpu.memory_space<vmem>>, %arg11: memref<!tpu.dma_semaphore, #tpu.memory_space<semaphore_mem>>, %arg12: memref<!tpu.dma_semaphore, #tpu.memory_space<semaphore_mem>>) attributes {dimension_semantics = [#tpu.dimension_semantics<core_parallel>, #tpu.dimension_semantics<subcore_parallel>], iteration_bounds = array<i64: 2, 16>, scalar_prefetch = 0 : i64, scratch_operands = 8 : i64, tpu.core_type = #tpu.core_type<sc_vector_subcore>, window_params = [{transform_indices = #map}, {transform_indices = #map}, {transform_indices = #map1}]} {
    %mul3A = arith.constant 2 : i32
    %mul3A_0 = arith.muli %arg1, %mul3A : i32
    %add3A = arith.addi %mul3A_0, %arg0 : i32
    %iota3A = tpu.iota {dimensions = array<i32: 0>} : vector<16xi32>
    %mul3A_1 = arith.constant 3 : i32
    %mul3A_2 = arith.muli %add3A, %mul3A_1 : i32
    %add3A_3 = arith.constant 0 : i32
    %add3A_4 = arith.addi %mul3A_2, %add3A_3 : i32
    "tpu.region"() ({
      %run_scoped3A = tpu.sem_alloc : memref<!tpu.dma_semaphore, #tpu.memory_space<semaphore_mem>>
      %dma_start3A_257 = arith.constant 0 : i32
      %dma_start3A_258 = tpu.memref_slice %arg3[%add3A_4, %dma_start3A_257] : memref<96x16xi32, #tpu.memory_space<hbm>> -> memref<1x16xi32, #tpu.memory_space<hbm>>
      %dma_start3A_259 = tpu.memref_squeeze %dma_start3A_258 : memref<1x16xi32, #tpu.memory_space<hbm>> -> memref<16xi32, #tpu.memory_space<hbm>>
      %dma_start3A_260 = arith.constant 0 : i32
      %dma_start3A_261 = tpu.memref_slice %arg3[%add3A_4, %dma_start3A_260] : memref<96x16xi32, #tpu.memory_space<hbm>> -> memref<1x16xi32, #tpu.memory_space<hbm>>
      %dma_start3A_262 = tpu.memref_squeeze %dma_start3A_261 : memref<1x16xi32, #tpu.memory_space<hbm>> -> memref<16xi32, #tpu.memory_space<hbm>>
      tpu.enqueue_dma source(%dma_start3A_262 : memref<16xi32, #tpu.memory_space<hbm>>) target(%arg5 : memref<16xi32, #tpu.memory_space<vmem>>) target_semaphore(%run_scoped3A : memref<!tpu.dma_semaphore, #tpu.memory_space<semaphore_mem>>)
      %dma_wait3A_263 = arith.constant 0 : i32
      %dma_wait3A_264 = tpu.memref_slice %arg3[%add3A_4, %dma_wait3A_263] : memref<96x16xi32, #tpu.memory_space<hbm>> -> memref<1x16xi32, #tpu.memory_space<hbm>>
      %dma_wait3A_265 = tpu.memref_squeeze %dma_wait3A_264 : memref<1x16xi32, #tpu.memory_space<hbm>> -> memref<16xi32, #tpu.memory_space<hbm>>
      %dma_wait3A_266 = arith.constant 0 : i32
      %dma_wait3A_267 = tpu.memref_slice %arg3[%add3A_4, %dma_wait3A_266] : memref<96x16xi32, #tpu.memory_space<hbm>> -> memref<1x16xi32, #tpu.memory_space<hbm>>
      %dma_wait3A_268 = tpu.memref_squeeze %dma_wait3A_267 : memref<1x16xi32, #tpu.memory_space<hbm>> -> memref<16xi32, #tpu.memory_space<hbm>>
      tpu.wait_dma2 semaphore(%run_scoped3A : memref<!tpu.dma_semaphore, #tpu.memory_space<semaphore_mem>>) src(%dma_wait3A_268 : memref<16xi32, #tpu.memory_space<hbm>>) dst(%arg5 : memref<16xi32, #tpu.memory_space<vmem>>)
      tpu.yield
    }) : () -> ()
    %mul3A_5 = arith.constant 3 : i32
    %mul3A_6 = arith.muli %add3A, %mul3A_5 : i32
    %add3A_7 = arith.constant 1 : i32
    %add3A_8 = arith.addi %mul3A_6, %add3A_7 : i32
    "tpu.region"() ({
      %run_scoped3A = tpu.sem_alloc : memref<!tpu.dma_semaphore, #tpu.memory_space<semaphore_mem>>
      %dma_start3A_257 = arith.constant 0 : i32
      %dma_start3A_258 = tpu.memref_slice %arg3[%add3A_8, %dma_start3A_257] : memref<96x16xi32, #tpu.memory_space<hbm>> -> memref<1x16xi32, #tpu.memory_space<hbm>>
      %dma_start3A_259 = tpu.memref_squeeze %dma_start3A_258 : memref<1x16xi32, #tpu.memory_space<hbm>> -> memref<16xi32, #tpu.memory_space<hbm>>
      %dma_start3A_260 = arith.constant 0 : i32
      %dma_start3A_261 = tpu.memref_slice %arg3[%add3A_8, %dma_start3A_260] : memref<96x16xi32, #tpu.memory_space<hbm>> -> memref<1x16xi32, #tpu.memory_space<hbm>>
      %dma_start3A_262 = tpu.memref_squeeze %dma_start3A_261 : memref<1x16xi32, #tpu.memory_space<hbm>> -> memref<16xi32, #tpu.memory_space<hbm>>
      tpu.enqueue_dma source(%dma_start3A_262 : memref<16xi32, #tpu.memory_space<hbm>>) target(%arg6 : memref<16xi32, #tpu.memory_space<vmem>>) target_semaphore(%run_scoped3A : memref<!tpu.dma_semaphore, #tpu.memory_space<semaphore_mem>>)
      %dma_wait3A_263 = arith.constant 0 : i32
      %dma_wait3A_264 = tpu.memref_slice %arg3[%add3A_8, %dma_wait3A_263] : memref<96x16xi32, #tpu.memory_space<hbm>> -> memref<1x16xi32, #tpu.memory_space<hbm>>
      %dma_wait3A_265 = tpu.memref_squeeze %dma_wait3A_264 : memref<1x16xi32, #tpu.memory_space<hbm>> -> memref<16xi32, #tpu.memory_space<hbm>>
      %dma_wait3A_266 = arith.constant 0 : i32
      %dma_wait3A_267 = tpu.memref_slice %arg3[%add3A_8, %dma_wait3A_266] : memref<96x16xi32, #tpu.memory_space<hbm>> -> memref<1x16xi32, #tpu.memory_space<hbm>>
      %dma_wait3A_268 = tpu.memref_squeeze %dma_wait3A_267 : memref<1x16xi32, #tpu.memory_space<hbm>> -> memref<16xi32, #tpu.memory_space<hbm>>
      tpu.wait_dma2 semaphore(%run_scoped3A : memref<!tpu.dma_semaphore, #tpu.memory_space<semaphore_mem>>) src(%dma_wait3A_268 : memref<16xi32, #tpu.memory_space<hbm>>) dst(%arg6 : memref<16xi32, #tpu.memory_space<vmem>>)
      tpu.yield
    }) : () -> ()
    %mul3A_9 = arith.constant 3 : i32
    %mul3A_10 = arith.muli %add3A, %mul3A_9 : i32
    %add3A_11 = arith.constant 2 : i32
    %add3A_12 = arith.addi %mul3A_10, %add3A_11 : i32
    "tpu.region"() ({
      %run_scoped3A = tpu.sem_alloc : memref<!tpu.dma_semaphore, #tpu.memory_space<semaphore_mem>>
      %dma_start3A_257 = arith.constant 0 : i32
      %dma_start3A_258 = tpu.memref_slice %arg3[%add3A_12, %dma_start3A_257] : memref<96x16xi32, #tpu.memory_space<hbm>> -> memref<1x16xi32, #tpu.memory_space<hbm>>
      %dma_start3A_259 = tpu.memref_squeeze %dma_start3A_258 : memref<1x16xi32, #tpu.memory_space<hbm>> -> memref<16xi32, #tpu.memory_space<hbm>>
      %dma_start3A_260 = arith.constant 0 : i32
      %dma_start3A_261 = tpu.memref_slice %arg3[%add3A_12, %dma_start3A_260] : memref<96x16xi32, #tpu.memory_space<hbm>> -> memref<1x16xi32, #tpu.memory_space<hbm>>
      %dma_start3A_262 = tpu.memref_squeeze %dma_start3A_261 : memref<1x16xi32, #tpu.memory_space<hbm>> -> memref<16xi32, #tpu.memory_space<hbm>>
      tpu.enqueue_dma source(%dma_start3A_262 : memref<16xi32, #tpu.memory_space<hbm>>) target(%arg7 : memref<16xi32, #tpu.memory_space<vmem>>) target_semaphore(%run_scoped3A : memref<!tpu.dma_semaphore, #tpu.memory_space<semaphore_mem>>)
      %dma_wait3A_263 = arith.constant 0 : i32
      %dma_wait3A_264 = tpu.memref_slice %arg3[%add3A_12, %dma_wait3A_263] : memref<96x16xi32, #tpu.memory_space<hbm>> -> memref<1x16xi32, #tpu.memory_space<hbm>>
      %dma_wait3A_265 = tpu.memref_squeeze %dma_wait3A_264 : memref<1x16xi32, #tpu.memory_space<hbm>> -> memref<16xi32, #tpu.memory_space<hbm>>
      %dma_wait3A_266 = arith.constant 0 : i32
      %dma_wait3A_267 = tpu.memref_slice %arg3[%add3A_12, %dma_wait3A_266] : memref<96x16xi32, #tpu.memory_space<hbm>> -> memref<1x16xi32, #tpu.memory_space<hbm>>
      %dma_wait3A_268 = tpu.memref_squeeze %dma_wait3A_267 : memref<1x16xi32, #tpu.memory_space<hbm>> -> memref<16xi32, #tpu.memory_space<hbm>>
      tpu.wait_dma2 semaphore(%run_scoped3A : memref<!tpu.dma_semaphore, #tpu.memory_space<semaphore_mem>>) src(%dma_wait3A_268 : memref<16xi32, #tpu.memory_space<hbm>>) dst(%arg7 : memref<16xi32, #tpu.memory_space<vmem>>)
      tpu.yield
    }) : () -> ()
    %eq3A = arith.constant 0 : i32
    %eq3A_13 = vector.broadcast %eq3A : i32 to vector<16xi32>
    %eq3A_14 = arith.cmpi eq, %iota3A, %eq3A_13 : vector<16xi32>
    %get3A = arith.constant 0 : index
    %get3A_15 = tpu.vector_load %arg5[%get3A] {strides = array<i32>} : memref<16xi32, #tpu.memory_space<vmem>>, vector<16xi32>,
    %jit3A = arith.constant 0 : i32
    %broadcast_in_dim3A = vector.broadcast %jit3A : i32 to vector<16xi32>
    %select_n3A = arith.select %eq3A_14, %get3A_15, %broadcast_in_dim3A : vector<16xi1>, vector<16xi32>
    %reduce_max3A = arith.constant true
    %reduce_max3A_16 = vector.broadcast %reduce_max3A : i1 to vector<16xi1>
    %reduce_max3A_17 = arith.constant -2147483648 : i32
    %reduce_max3A_18 = vector.broadcast %reduce_max3A_17 : i32 to vector<16xi32>
    %reduce_max3A_19 = arith.xori %select_n3A, %reduce_max3A_18 : vector<16xi32>
    %reduce_max3A_20 = tpu.scan <max>, %reduce_max3A_19 masked %reduce_max3A_16 : vector<16xi32>, vector<16xi1> -> vector<16xi32>
    %reduce_max3A_21 = arith.xori %reduce_max3A_20, %reduce_max3A_18 : vector<16xi32>
    %reduce_max3A_22 = vector.extract %reduce_max3A_21[15] : i32 from vector<16xi32>
    %dma_start3A = arith.constant 0 : i32
    %dma_start3A_23 = tpu.memref_slice %arg2[%reduce_max3A_22, %dma_start3A] : memref<34048x16xbf16, #tpu.memory_space<hbm>> -> memref<1024x16xbf16, #tpu.memory_space<hbm>>
    %dma_start3A_24 = arith.constant 0 : i32
    %dma_start3A_25 = tpu.memref_slice %arg2[%reduce_max3A_22, %dma_start3A_24] : memref<34048x16xbf16, #tpu.memory_space<hbm>> -> memref<1024x16xbf16, #tpu.memory_space<hbm>>
    tpu.enqueue_dma source(%dma_start3A_25 : memref<1024x16xbf16, #tpu.memory_space<hbm>>) target(%arg8 : memref<1024x16xbf16, #tpu.memory_space<vmem>>) target_semaphore(%arg11 : memref<!tpu.dma_semaphore, #tpu.memory_space<semaphore_mem>>)
    %eq3A_26 = arith.constant 0 : i32
    %eq3A_27 = vector.broadcast %eq3A_26 : i32 to vector<16xi32>
    %eq3A_28 = arith.cmpi eq, %iota3A, %eq3A_27 : vector<16xi32>
    %get3A_29 = arith.constant 0 : index
    %get3A_30 = tpu.vector_load %arg6[%get3A_29] {strides = array<i32>} : memref<16xi32, #tpu.memory_space<vmem>>, vector<16xi32>,
    %jit3A_31 = arith.constant 0 : i32
    %broadcast_in_dim3A_32 = vector.broadcast %jit3A_31 : i32 to vector<16xi32>
    %select_n3A_33 = arith.select %eq3A_28, %get3A_30, %broadcast_in_dim3A_32 : vector<16xi1>, vector<16xi32>
    %reduce_max3A_34 = arith.constant true
    %reduce_max3A_35 = vector.broadcast %reduce_max3A_34 : i1 to vector<16xi1>
    %reduce_max3A_36 = arith.constant -2147483648 : i32
    %reduce_max3A_37 = vector.broadcast %reduce_max3A_36 : i32 to vector<16xi32>
    %reduce_max3A_38 = arith.xori %select_n3A_33, %reduce_max3A_37 : vector<16xi32>
    %reduce_max3A_39 = tpu.scan <max>, %reduce_max3A_38 masked %reduce_max3A_35 : vector<16xi32>, vector<16xi1> -> vector<16xi32>
    %reduce_max3A_40 = arith.xori %reduce_max3A_39, %reduce_max3A_37 : vector<16xi32>
    %reduce_max3A_41 = vector.extract %reduce_max3A_40[15] : i32 from vector<16xi32>
    %dma_start3A_42 = arith.constant 0 : i32
    %dma_start3A_43 = tpu.memref_slice %arg2[%reduce_max3A_41, %dma_start3A_42] : memref<34048x16xbf16, #tpu.memory_space<hbm>> -> memref<1024x16xbf16, #tpu.memory_space<hbm>>
    %dma_start3A_44 = arith.constant 0 : i32
    %dma_start3A_45 = tpu.memref_slice %arg2[%reduce_max3A_41, %dma_start3A_44] : memref<34048x16xbf16, #tpu.memory_space<hbm>> -> memref<1024x16xbf16, #tpu.memory_space<hbm>>
    tpu.enqueue_dma source(%dma_start3A_45 : memref<1024x16xbf16, #tpu.memory_space<hbm>>) target(%arg9 : memref<1024x16xbf16, #tpu.memory_space<vmem>>) target_semaphore(%arg11 : memref<!tpu.dma_semaphore, #tpu.memory_space<semaphore_mem>>)
    %eq3A_46 = arith.constant 0 : i32
    %eq3A_47 = vector.broadcast %eq3A_46 : i32 to vector<16xi32>
    %eq3A_48 = arith.cmpi eq, %iota3A, %eq3A_47 : vector<16xi32>
    %get3A_49 = arith.constant 0 : index
    %get3A_50 = tpu.vector_load %arg7[%get3A_49] {strides = array<i32>} : memref<16xi32, #tpu.memory_space<vmem>>, vector<16xi32>,
    %jit3A_51 = arith.constant 0 : i32
    %broadcast_in_dim3A_52 = vector.broadcast %jit3A_51 : i32 to vector<16xi32>
    %select_n3A_53 = arith.select %eq3A_48, %get3A_50, %broadcast_in_dim3A_52 : vector<16xi1>, vector<16xi32>
    %reduce_max3A_54 = arith.constant true
    %reduce_max3A_55 = vector.broadcast %reduce_max3A_54 : i1 to vector<16xi1>
    %reduce_max3A_56 = arith.constant -2147483648 : i32
    %reduce_max3A_57 = vector.broadcast %reduce_max3A_56 : i32 to vector<16xi32>
    %reduce_max3A_58 = arith.xori %select_n3A_53, %reduce_max3A_57 : vector<16xi32>
    %reduce_max3A_59 = tpu.scan <max>, %reduce_max3A_58 masked %reduce_max3A_55 : vector<16xi32>, vector<16xi1> -> vector<16xi32>
    %reduce_max3A_60 = arith.xori %reduce_max3A_59, %reduce_max3A_57 : vector<16xi32>
    %reduce_max3A_61 = vector.extract %reduce_max3A_60[15] : i32 from vector<16xi32>
    %dma_start3A_62 = arith.constant 0 : i32
    %dma_start3A_63 = tpu.memref_slice %arg2[%reduce_max3A_61, %dma_start3A_62] : memref<34048x16xbf16, #tpu.memory_space<hbm>> -> memref<1024x16xbf16, #tpu.memory_space<hbm>>
    %dma_start3A_64 = arith.constant 0 : i32
    %dma_start3A_65 = tpu.memref_slice %arg2[%reduce_max3A_61, %dma_start3A_64] : memref<34048x16xbf16, #tpu.memory_space<hbm>> -> memref<1024x16xbf16, #tpu.memory_space<hbm>>
    tpu.enqueue_dma source(%dma_start3A_65 : memref<1024x16xbf16, #tpu.memory_space<hbm>>) target(%arg10 : memref<1024x16xbf16, #tpu.memory_space<vmem>>) target_semaphore(%arg11 : memref<!tpu.dma_semaphore, #tpu.memory_space<semaphore_mem>>)
    %mul3A_66 = arith.constant 3 : i32
    %mul3A_67 = arith.muli %add3A, %mul3A_66 : i32
    %add3A_68 = arith.constant 0 : i32
    %add3A_69 = arith.addi %mul3A_67, %add3A_68 : i32
    %dma_wait3A = arith.constant 0 : i32
    %dma_wait3A_70 = tpu.memref_slice %arg2[%reduce_max3A_22, %dma_wait3A] : memref<34048x16xbf16, #tpu.memory_space<hbm>> -> memref<1024x16xbf16, #tpu.memory_space<hbm>>
    %dma_wait3A_71 = arith.constant 0 : i32
    %dma_wait3A_72 = tpu.memref_slice %arg2[%reduce_max3A_22, %dma_wait3A_71] : memref<34048x16xbf16, #tpu.memory_space<hbm>> -> memref<1024x16xbf16, #tpu.memory_space<hbm>>
    tpu.wait_dma2 semaphore(%arg11 : memref<!tpu.dma_semaphore, #tpu.memory_space<semaphore_mem>>) src(%dma_wait3A_72 : memref<1024x16xbf16, #tpu.memory_space<hbm>>) dst(%arg8 : memref<1024x16xbf16, #tpu.memory_space<vmem>>)
    %dma_start3A_73 = arith.constant 512 : i32
    %dma_start3A_74 = arith.constant 0 : i32
    %dma_start3A_75 = tpu.memref_slice %arg8[%dma_start3A_73, %dma_start3A_74] : memref<1024x16xbf16, #tpu.memory_space<vmem>> -> memref<512x16xbf16, #tpu.memory_space<vmem>>
    %dma_start3A_76 = arith.constant 0 : i32
    %dma_start3A_77 = arith.constant 0 : i32
    %dma_start3A_78 = tpu.memref_slice %arg4[%add3A_69, %dma_start3A_76, %dma_start3A_77] : memref<96x1024x16xbf16, #tpu.memory_space<hbm>> -> memref<1x512x16xbf16, #tpu.memory_space<hbm>>
    %dma_start3A_79 = tpu.memref_squeeze %dma_start3A_78 : memref<1x512x16xbf16, #tpu.memory_space<hbm>> -> memref<512x16xbf16, #tpu.memory_space<hbm>>
    %dma_start3A_80 = arith.constant 0 : i32
    %dma_start3A_81 = arith.constant 0 : i32
    %dma_start3A_82 = tpu.memref_slice %arg4[%add3A_69, %dma_start3A_80, %dma_start3A_81] : memref<96x1024x16xbf16, #tpu.memory_space<hbm>> -> memref<1x512x16xbf16, #tpu.memory_space<hbm>>
    %dma_start3A_83 = tpu.memref_squeeze %dma_start3A_82 : memref<1x512x16xbf16, #tpu.memory_space<hbm>> -> memref<512x16xbf16, #tpu.memory_space<hbm>>
    %dma_start3A_84 = arith.constant 512 : i32
    %dma_start3A_85 = arith.constant 0 : i32
    %dma_start3A_86 = tpu.memref_slice %arg8[%dma_start3A_84, %dma_start3A_85] : memref<1024x16xbf16, #tpu.memory_space<vmem>> -> memref<512x16xbf16, #tpu.memory_space<vmem>>
    tpu.enqueue_dma source(%dma_start3A_86 : memref<512x16xbf16, #tpu.memory_space<vmem>>) target(%dma_start3A_83 : memref<512x16xbf16, #tpu.memory_space<hbm>>) target_semaphore(%arg12 : memref<!tpu.dma_semaphore, #tpu.memory_space<semaphore_mem>>)
    %dma_start3A_87 = arith.constant 0 : i32
    %dma_start3A_88 = arith.constant 0 : i32
    %dma_start3A_89 = tpu.memref_slice %arg8[%dma_start3A_87, %dma_start3A_88] : memref<1024x16xbf16, #tpu.memory_space<vmem>> -> memref<512x16xbf16, #tpu.memory_space<vmem>>
    %dma_start3A_90 = arith.constant 512 : i32
    %dma_start3A_91 = arith.constant 0 : i32
    %dma_start3A_92 = tpu.memref_slice %arg4[%add3A_69, %dma_start3A_90, %dma_start3A_91] : memref<96x1024x16xbf16, #tpu.memory_space<hbm>> -> memref<1x512x16xbf16, #tpu.memory_space<hbm>>
    %dma_start3A_93 = tpu.memref_squeeze %dma_start3A_92 : memref<1x512x16xbf16, #tpu.memory_space<hbm>> -> memref<512x16xbf16, #tpu.memory_space<hbm>>
    %dma_start3A_94 = arith.constant 512 : i32
    %dma_start3A_95 = arith.constant 0 : i32
    %dma_start3A_96 = tpu.memref_slice %arg4[%add3A_69, %dma_start3A_94, %dma_start3A_95] : memref<96x1024x16xbf16, #tpu.memory_space<hbm>> -> memref<1x512x16xbf16, #tpu.memory_space<hbm>>
    %dma_start3A_97 = tpu.memref_squeeze %dma_start3A_96 : memref<1x512x16xbf16, #tpu.memory_space<hbm>> -> memref<512x16xbf16, #tpu.memory_space<hbm>>
    %dma_start3A_98 = arith.constant 0 : i32
    %dma_start3A_99 = arith.constant 0 : i32
    %dma_start3A_100 = tpu.memref_slice %arg8[%dma_start3A_98, %dma_start3A_99] : memref<1024x16xbf16, #tpu.memory_space<vmem>> -> memref<512x16xbf16, #tpu.memory_space<vmem>>
    tpu.enqueue_dma source(%dma_start3A_100 : memref<512x16xbf16, #tpu.memory_space<vmem>>) target(%dma_start3A_97 : memref<512x16xbf16, #tpu.memory_space<hbm>>) target_semaphore(%arg12 : memref<!tpu.dma_semaphore, #tpu.memory_space<semaphore_mem>>)
    %mul3A_101 = arith.constant 3 : i32
    %mul3A_102 = arith.muli %add3A, %mul3A_101 : i32
    %add3A_103 = arith.constant 1 : i32
    %add3A_104 = arith.addi %mul3A_102, %add3A_103 : i32
    %dma_wait3A_105 = arith.constant 0 : i32
    %dma_wait3A_106 = tpu.memref_slice %arg2[%reduce_max3A_41, %dma_wait3A_105] : memref<34048x16xbf16, #tpu.memory_space<hbm>> -> memref<1024x16xbf16, #tpu.memory_space<hbm>>
    %dma_wait3A_107 = arith.constant 0 : i32
    %dma_wait3A_108 = tpu.memref_slice %arg2[%reduce_max3A_41, %dma_wait3A_107] : memref<34048x16xbf16, #tpu.memory_space<hbm>> -> memref<1024x16xbf16, #tpu.memory_space<hbm>>
    tpu.wait_dma2 semaphore(%arg11 : memref<!tpu.dma_semaphore, #tpu.memory_space<semaphore_mem>>) src(%dma_wait3A_108 : memref<1024x16xbf16, #tpu.memory_space<hbm>>) dst(%arg9 : memref<1024x16xbf16, #tpu.memory_space<vmem>>)
    %dma_start3A_109 = arith.constant 512 : i32
    %dma_start3A_110 = arith.constant 0 : i32
    %dma_start3A_111 = tpu.memref_slice %arg9[%dma_start3A_109, %dma_start3A_110] : memref<1024x16xbf16, #tpu.memory_space<vmem>> -> memref<512x16xbf16, #tpu.memory_space<vmem>>
    %dma_start3A_112 = arith.constant 0 : i32
    %dma_start3A_113 = arith.constant 0 : i32
    %dma_start3A_114 = tpu.memref_slice %arg4[%add3A_104, %dma_start3A_112, %dma_start3A_113] : memref<96x1024x16xbf16, #tpu.memory_space<hbm>> -> memref<1x512x16xbf16, #tpu.memory_space<hbm>>
    %dma_start3A_115 = tpu.memref_squeeze %dma_start3A_114 : memref<1x512x16xbf16, #tpu.memory_space<hbm>> -> memref<512x16xbf16, #tpu.memory_space<hbm>>
    %dma_start3A_116 = arith.constant 0 : i32
    %dma_start3A_117 = arith.constant 0 : i32
    %dma_start3A_118 = tpu.memref_slice %arg4[%add3A_104, %dma_start3A_116, %dma_start3A_117] : memref<96x1024x16xbf16, #tpu.memory_space<hbm>> -> memref<1x512x16xbf16, #tpu.memory_space<hbm>>
    %dma_start3A_119 = tpu.memref_squeeze %dma_start3A_118 : memref<1x512x16xbf16, #tpu.memory_space<hbm>> -> memref<512x16xbf16, #tpu.memory_space<hbm>>
    %dma_start3A_120 = arith.constant 512 : i32
    %dma_start3A_121 = arith.constant 0 : i32
    %dma_start3A_122 = tpu.memref_slice %arg9[%dma_start3A_120, %dma_start3A_121] : memref<1024x16xbf16, #tpu.memory_space<vmem>> -> memref<512x16xbf16, #tpu.memory_space<vmem>>
    tpu.enqueue_dma source(%dma_start3A_122 : memref<512x16xbf16, #tpu.memory_space<vmem>>) target(%dma_start3A_119 : memref<512x16xbf16, #tpu.memory_space<hbm>>) target_semaphore(%arg12 : memref<!tpu.dma_semaphore, #tpu.memory_space<semaphore_mem>>)
    %dma_start3A_123 = arith.constant 0 : i32
    %dma_start3A_124 = arith.constant 0 : i32
    %dma_start3A_125 = tpu.memref_slice %arg9[%dma_start3A_123, %dma_start3A_124] : memref<1024x16xbf16, #tpu.memory_space<vmem>> -> memref<512x16xbf16, #tpu.memory_space<vmem>>
    %dma_start3A_126 = arith.constant 512 : i32
    %dma_start3A_127 = arith.constant 0 : i32
    %dma_start3A_128 = tpu.memref_slice %arg4[%add3A_104, %dma_start3A_126, %dma_start3A_127] : memref<96x1024x16xbf16, #tpu.memory_space<hbm>> -> memref<1x512x16xbf16, #tpu.memory_space<hbm>>
    %dma_start3A_129 = tpu.memref_squeeze %dma_start3A_128 : memref<1x512x16xbf16, #tpu.memory_space<hbm>> -> memref<512x16xbf16, #tpu.memory_space<hbm>>
    %dma_start3A_130 = arith.constant 512 : i32
    %dma_start3A_131 = arith.constant 0 : i32
    %dma_start3A_132 = tpu.memref_slice %arg4[%add3A_104, %dma_start3A_130, %dma_start3A_131] : memref<96x1024x16xbf16, #tpu.memory_space<hbm>> -> memref<1x512x16xbf16, #tpu.memory_space<hbm>>
    %dma_start3A_133 = tpu.memref_squeeze %dma_start3A_132 : memref<1x512x16xbf16, #tpu.memory_space<hbm>> -> memref<512x16xbf16, #tpu.memory_space<hbm>>
    %dma_start3A_134 = arith.constant 0 : i32
    %dma_start3A_135 = arith.constant 0 : i32
    %dma_start3A_136 = tpu.memref_slice %arg9[%dma_start3A_134, %dma_start3A_135] : memref<1024x16xbf16, #tpu.memory_space<vmem>> -> memref<512x16xbf16, #tpu.memory_space<vmem>>
    tpu.enqueue_dma source(%dma_start3A_136 : memref<512x16xbf16, #tpu.memory_space<vmem>>) target(%dma_start3A_133 : memref<512x16xbf16, #tpu.memory_space<hbm>>) target_semaphore(%arg12 : memref<!tpu.dma_semaphore, #tpu.memory_space<semaphore_mem>>)
    %mul3A_137 = arith.constant 3 : i32
    %mul3A_138 = arith.muli %add3A, %mul3A_137 : i32
    %add3A_139 = arith.constant 2 : i32
    %add3A_140 = arith.addi %mul3A_138, %add3A_139 : i32
    %dma_wait3A_141 = arith.constant 0 : i32
    %dma_wait3A_142 = tpu.memref_slice %arg2[%reduce_max3A_61, %dma_wait3A_141] : memref<34048x16xbf16, #tpu.memory_space<hbm>> -> memref<1024x16xbf16, #tpu.memory_space<hbm>>
    %dma_wait3A_143 = arith.constant 0 : i32
    %dma_wait3A_144 = tpu.memref_slice %arg2[%reduce_max3A_61, %dma_wait3A_143] : memref<34048x16xbf16, #tpu.memory_space<hbm>> -> memref<1024x16xbf16, #tpu.memory_space<hbm>>
    tpu.wait_dma2 semaphore(%arg11 : memref<!tpu.dma_semaphore, #tpu.memory_space<semaphore_mem>>) src(%dma_wait3A_144 : memref<1024x16xbf16, #tpu.memory_space<hbm>>) dst(%arg10 : memref<1024x16xbf16, #tpu.memory_space<vmem>>)
    %dma_start3A_145 = arith.constant 512 : i32
    %dma_start3A_146 = arith.constant 0 : i32
    %dma_start3A_147 = tpu.memref_slice %arg10[%dma_start3A_145, %dma_start3A_146] : memref<1024x16xbf16, #tpu.memory_space<vmem>> -> memref<512x16xbf16, #tpu.memory_space<vmem>>
    %dma_start3A_148 = arith.constant 0 : i32
    %dma_start3A_149 = arith.constant 0 : i32
    %dma_start3A_150 = tpu.memref_slice %arg4[%add3A_140, %dma_start3A_148, %dma_start3A_149] : memref<96x1024x16xbf16, #tpu.memory_space<hbm>> -> memref<1x512x16xbf16, #tpu.memory_space<hbm>>
    %dma_start3A_151 = tpu.memref_squeeze %dma_start3A_150 : memref<1x512x16xbf16, #tpu.memory_space<hbm>> -> memref<512x16xbf16, #tpu.memory_space<hbm>>
    %dma_start3A_152 = arith.constant 0 : i32
    %dma_start3A_153 = arith.constant 0 : i32
    %dma_start3A_154 = tpu.memref_slice %arg4[%add3A_140, %dma_start3A_152, %dma_start3A_153] : memref<96x1024x16xbf16, #tpu.memory_space<hbm>> -> memref<1x512x16xbf16, #tpu.memory_space<hbm>>
    %dma_start3A_155 = tpu.memref_squeeze %dma_start3A_154 : memref<1x512x16xbf16, #tpu.memory_space<hbm>> -> memref<512x16xbf16, #tpu.memory_space<hbm>>
    %dma_start3A_156 = arith.constant 512 : i32
    %dma_start3A_157 = arith.constant 0 : i32
    %dma_start3A_158 = tpu.memref_slice %arg10[%dma_start3A_156, %dma_start3A_157] : memref<1024x16xbf16, #tpu.memory_space<vmem>> -> memref<512x16xbf16, #tpu.memory_space<vmem>>
    tpu.enqueue_dma source(%dma_start3A_158 : memref<512x16xbf16, #tpu.memory_space<vmem>>) target(%dma_start3A_155 : memref<512x16xbf16, #tpu.memory_space<hbm>>) target_semaphore(%arg12 : memref<!tpu.dma_semaphore, #tpu.memory_space<semaphore_mem>>)
    %dma_start3A_159 = arith.constant 0 : i32
    %dma_start3A_160 = arith.constant 0 : i32
    %dma_start3A_161 = tpu.memref_slice %arg10[%dma_start3A_159, %dma_start3A_160] : memref<1024x16xbf16, #tpu.memory_space<vmem>> -> memref<512x16xbf16, #tpu.memory_space<vmem>>
    %dma_start3A_162 = arith.constant 512 : i32
    %dma_start3A_163 = arith.constant 0 : i32
    %dma_start3A_164 = tpu.memref_slice %arg4[%add3A_140, %dma_start3A_162, %dma_start3A_163] : memref<96x1024x16xbf16, #tpu.memory_space<hbm>> -> memref<1x512x16xbf16, #tpu.memory_space<hbm>>
    %dma_start3A_165 = tpu.memref_squeeze %dma_start3A_164 : memref<1x512x16xbf16, #tpu.memory_space<hbm>> -> memref<512x16xbf16, #tpu.memory_space<hbm>>
    %dma_start3A_166 = arith.constant 512 : i32
    %dma_start3A_167 = arith.constant 0 : i32
    %dma_start3A_168 = tpu.memref_slice %arg4[%add3A_140, %dma_start3A_166, %dma_start3A_167] : memref<96x1024x16xbf16, #tpu.memory_space<hbm>> -> memref<1x512x16xbf16, #tpu.memory_space<hbm>>
    %dma_start3A_169 = tpu.memref_squeeze %dma_start3A_168 : memref<1x512x16xbf16, #tpu.memory_space<hbm>> -> memref<512x16xbf16, #tpu.memory_space<hbm>>
    %dma_start3A_170 = arith.constant 0 : i32
    %dma_start3A_171 = arith.constant 0 : i32
    %dma_start3A_172 = tpu.memref_slice %arg10[%dma_start3A_170, %dma_start3A_171] : memref<1024x16xbf16, #tpu.memory_space<vmem>> -> memref<512x16xbf16, #tpu.memory_space<vmem>>
    tpu.enqueue_dma source(%dma_start3A_172 : memref<512x16xbf16, #tpu.memory_space<vmem>>) target(%dma_start3A_169 : memref<512x16xbf16, #tpu.memory_space<hbm>>) target_semaphore(%arg12 : memref<!tpu.dma_semaphore, #tpu.memory_space<semaphore_mem>>)
    %dma_wait3A_173 = arith.constant 512 : i32
    %dma_wait3A_174 = arith.constant 0 : i32
    %dma_wait3A_175 = tpu.memref_slice %arg8[%dma_wait3A_173, %dma_wait3A_174] : memref<1024x16xbf16, #tpu.memory_space<vmem>> -> memref<512x16xbf16, #tpu.memory_space<vmem>>
    %dma_wait3A_176 = arith.constant 0 : i32
    %dma_wait3A_177 = arith.constant 0 : i32
    %dma_wait3A_178 = tpu.memref_slice %arg4[%add3A_69, %dma_wait3A_176, %dma_wait3A_177] : memref<96x1024x16xbf16, #tpu.memory_space<hbm>> -> memref<1x512x16xbf16, #tpu.memory_space<hbm>>
    %dma_wait3A_179 = tpu.memref_squeeze %dma_wait3A_178 : memref<1x512x16xbf16, #tpu.memory_space<hbm>> -> memref<512x16xbf16, #tpu.memory_space<hbm>>
    %dma_wait3A_180 = arith.constant 0 : i32
    %dma_wait3A_181 = arith.constant 0 : i32
    %dma_wait3A_182 = tpu.memref_slice %arg4[%add3A_69, %dma_wait3A_180, %dma_wait3A_181] : memref<96x1024x16xbf16, #tpu.memory_space<hbm>> -> memref<1x512x16xbf16, #tpu.memory_space<hbm>>
    %dma_wait3A_183 = tpu.memref_squeeze %dma_wait3A_182 : memref<1x512x16xbf16, #tpu.memory_space<hbm>> -> memref<512x16xbf16, #tpu.memory_space<hbm>>
    %dma_wait3A_184 = arith.constant 512 : i32
    %dma_wait3A_185 = arith.constant 0 : i32
    %dma_wait3A_186 = tpu.memref_slice %arg8[%dma_wait3A_184, %dma_wait3A_185] : memref<1024x16xbf16, #tpu.memory_space<vmem>> -> memref<512x16xbf16, #tpu.memory_space<vmem>>
    tpu.wait_dma2 semaphore(%arg12 : memref<!tpu.dma_semaphore, #tpu.memory_space<semaphore_mem>>) src(%dma_wait3A_186 : memref<512x16xbf16, #tpu.memory_space<vmem>>) dst(%dma_wait3A_183 : memref<512x16xbf16, #tpu.memory_space<hbm>>)
    %dma_wait3A_187 = arith.constant 0 : i32
    %dma_wait3A_188 = arith.constant 0 : i32
    %dma_wait3A_189 = tpu.memref_slice %arg8[%dma_wait3A_187, %dma_wait3A_188] : memref<1024x16xbf16, #tpu.memory_space<vmem>> -> memref<512x16xbf16, #tpu.memory_space<vmem>>
    %dma_wait3A_190 = arith.constant 512 : i32
    %dma_wait3A_191 = arith.constant 0 : i32
    %dma_wait3A_192 = tpu.memref_slice %arg4[%add3A_69, %dma_wait3A_190, %dma_wait3A_191] : memref<96x1024x16xbf16, #tpu.memory_space<hbm>> -> memref<1x512x16xbf16, #tpu.memory_space<hbm>>
    %dma_wait3A_193 = tpu.memref_squeeze %dma_wait3A_192 : memref<1x512x16xbf16, #tpu.memory_space<hbm>> -> memref<512x16xbf16, #tpu.memory_space<hbm>>
    %dma_wait3A_194 = arith.constant 512 : i32
    %dma_wait3A_195 = arith.constant 0 : i32
    %dma_wait3A_196 = tpu.memref_slice %arg4[%add3A_69, %dma_wait3A_194, %dma_wait3A_195] : memref<96x1024x16xbf16, #tpu.memory_space<hbm>> -> memref<1x512x16xbf16, #tpu.memory_space<hbm>>
    %dma_wait3A_197 = tpu.memref_squeeze %dma_wait3A_196 : memref<1x512x16xbf16, #tpu.memory_space<hbm>> -> memref<512x16xbf16, #tpu.memory_space<hbm>>
    %dma_wait3A_198 = arith.constant 0 : i32
    %dma_wait3A_199 = arith.constant 0 : i32
    %dma_wait3A_200 = tpu.memref_slice %arg8[%dma_wait3A_198, %dma_wait3A_199] : memref<1024x16xbf16, #tpu.memory_space<vmem>> -> memref<512x16xbf16, #tpu.memory_space<vmem>>
    tpu.wait_dma2 semaphore(%arg12 : memref<!tpu.dma_semaphore, #tpu.memory_space<semaphore_mem>>) src(%dma_wait3A_200 : memref<512x16xbf16, #tpu.memory_space<vmem>>) dst(%dma_wait3A_197 : memref<512x16xbf16, #tpu.memory_space<hbm>>)
    %dma_wait3A_201 = arith.constant 512 : i32
    %dma_wait3A_202 = arith.constant 0 : i32
    %dma_wait3A_203 = tpu.memref_slice %arg9[%dma_wait3A_201, %dma_wait3A_202] : memref<1024x16xbf16, #tpu.memory_space<vmem>> -> memref<512x16xbf16, #tpu.memory_space<vmem>>
    %dma_wait3A_204 = arith.constant 0 : i32
    %dma_wait3A_205 = arith.constant 0 : i32
    %dma_wait3A_206 = tpu.memref_slice %arg4[%add3A_104, %dma_wait3A_204, %dma_wait3A_205] : memref<96x1024x16xbf16, #tpu.memory_space<hbm>> -> memref<1x512x16xbf16, #tpu.memory_space<hbm>>
    %dma_wait3A_207 = tpu.memref_squeeze %dma_wait3A_206 : memref<1x512x16xbf16, #tpu.memory_space<hbm>> -> memref<512x16xbf16, #tpu.memory_space<hbm>>
    %dma_wait3A_208 = arith.constant 0 : i32
    %dma_wait3A_209 = arith.constant 0 : i32
    %dma_wait3A_210 = tpu.memref_slice %arg4[%add3A_104, %dma_wait3A_208, %dma_wait3A_209] : memref<96x1024x16xbf16, #tpu.memory_space<hbm>> -> memref<1x512x16xbf16, #tpu.memory_space<hbm>>
    %dma_wait3A_211 = tpu.memref_squeeze %dma_wait3A_210 : memref<1x512x16xbf16, #tpu.memory_space<hbm>> -> memref<512x16xbf16, #tpu.memory_space<hbm>>
    %dma_wait3A_212 = arith.constant 512 : i32
    %dma_wait3A_213 = arith.constant 0 : i32
    %dma_wait3A_214 = tpu.memref_slice %arg9[%dma_wait3A_212, %dma_wait3A_213] : memref<1024x16xbf16, #tpu.memory_space<vmem>> -> memref<512x16xbf16, #tpu.memory_space<vmem>>
    tpu.wait_dma2 semaphore(%arg12 : memref<!tpu.dma_semaphore, #tpu.memory_space<semaphore_mem>>) src(%dma_wait3A_214 : memref<512x16xbf16, #tpu.memory_space<vmem>>) dst(%dma_wait3A_211 : memref<512x16xbf16, #tpu.memory_space<hbm>>)
    %dma_wait3A_215 = arith.constant 0 : i32
    %dma_wait3A_216 = arith.constant 0 : i32
    %dma_wait3A_217 = tpu.memref_slice %arg9[%dma_wait3A_215, %dma_wait3A_216] : memref<1024x16xbf16, #tpu.memory_space<vmem>> -> memref<512x16xbf16, #tpu.memory_space<vmem>>
    %dma_wait3A_218 = arith.constant 512 : i32
    %dma_wait3A_219 = arith.constant 0 : i32
    %dma_wait3A_220 = tpu.memref_slice %arg4[%add3A_104, %dma_wait3A_218, %dma_wait3A_219] : memref<96x1024x16xbf16, #tpu.memory_space<hbm>> -> memref<1x512x16xbf16, #tpu.memory_space<hbm>>
    %dma_wait3A_221 = tpu.memref_squeeze %dma_wait3A_220 : memref<1x512x16xbf16, #tpu.memory_space<hbm>> -> memref<512x16xbf16, #tpu.memory_space<hbm>>
    %dma_wait3A_222 = arith.constant 512 : i32
    %dma_wait3A_223 = arith.constant 0 : i32
    %dma_wait3A_224 = tpu.memref_slice %arg4[%add3A_104, %dma_wait3A_222, %dma_wait3A_223] : memref<96x1024x16xbf16, #tpu.memory_space<hbm>> -> memref<1x512x16xbf16, #tpu.memory_space<hbm>>
    %dma_wait3A_225 = tpu.memref_squeeze %dma_wait3A_224 : memref<1x512x16xbf16, #tpu.memory_space<hbm>> -> memref<512x16xbf16, #tpu.memory_space<hbm>>
    %dma_wait3A_226 = arith.constant 0 : i32
    %dma_wait3A_227 = arith.constant 0 : i32
    %dma_wait3A_228 = tpu.memref_slice %arg9[%dma_wait3A_226, %dma_wait3A_227] : memref<1024x16xbf16, #tpu.memory_space<vmem>> -> memref<512x16xbf16, #tpu.memory_space<vmem>>
    tpu.wait_dma2 semaphore(%arg12 : memref<!tpu.dma_semaphore, #tpu.memory_space<semaphore_mem>>) src(%dma_wait3A_228 : memref<512x16xbf16, #tpu.memory_space<vmem>>) dst(%dma_wait3A_225 : memref<512x16xbf16, #tpu.memory_space<hbm>>)
    %dma_wait3A_229 = arith.constant 512 : i32
    %dma_wait3A_230 = arith.constant 0 : i32
    %dma_wait3A_231 = tpu.memref_slice %arg10[%dma_wait3A_229, %dma_wait3A_230] : memref<1024x16xbf16, #tpu.memory_space<vmem>> -> memref<512x16xbf16, #tpu.memory_space<vmem>>
    %dma_wait3A_232 = arith.constant 0 : i32
    %dma_wait3A_233 = arith.constant 0 : i32
    %dma_wait3A_234 = tpu.memref_slice %arg4[%add3A_140, %dma_wait3A_232, %dma_wait3A_233] : memref<96x1024x16xbf16, #tpu.memory_space<hbm>> -> memref<1x512x16xbf16, #tpu.memory_space<hbm>>
    %dma_wait3A_235 = tpu.memref_squeeze %dma_wait3A_234 : memref<1x512x16xbf16, #tpu.memory_space<hbm>> -> memref<512x16xbf16, #tpu.memory_space<hbm>>
    %dma_wait3A_236 = arith.constant 0 : i32
    %dma_wait3A_237 = arith.constant 0 : i32
    %dma_wait3A_238 = tpu.memref_slice %arg4[%add3A_140, %dma_wait3A_236, %dma_wait3A_237] : memref<96x1024x16xbf16, #tpu.memory_space<hbm>> -> memref<1x512x16xbf16, #tpu.memory_space<hbm>>
    %dma_wait3A_239 = tpu.memref_squeeze %dma_wait3A_238 : memref<1x512x16xbf16, #tpu.memory_space<hbm>> -> memref<512x16xbf16, #tpu.memory_space<hbm>>
    %dma_wait3A_240 = arith.constant 512 : i32
    %dma_wait3A_241 = arith.constant 0 : i32
    %dma_wait3A_242 = tpu.memref_slice %arg10[%dma_wait3A_240, %dma_wait3A_241] : memref<1024x16xbf16, #tpu.memory_space<vmem>> -> memref<512x16xbf16, #tpu.memory_space<vmem>>
    tpu.wait_dma2 semaphore(%arg12 : memref<!tpu.dma_semaphore, #tpu.memory_space<semaphore_mem>>) src(%dma_wait3A_242 : memref<512x16xbf16, #tpu.memory_space<vmem>>) dst(%dma_wait3A_239 : memref<512x16xbf16, #tpu.memory_space<hbm>>)
    %dma_wait3A_243 = arith.constant 0 : i32
    %dma_wait3A_244 = arith.constant 0 : i32
    %dma_wait3A_245 = tpu.memref_slice %arg10[%dma_wait3A_243, %dma_wait3A_244] : memref<1024x16xbf16, #tpu.memory_space<vmem>> -> memref<512x16xbf16, #tpu.memory_space<vmem>>
    %dma_wait3A_246 = arith.constant 512 : i32
    %dma_wait3A_247 = arith.constant 0 : i32
    %dma_wait3A_248 = tpu.memref_slice %arg4[%add3A_140, %dma_wait3A_246, %dma_wait3A_247] : memref<96x1024x16xbf16, #tpu.memory_space<hbm>> -> memref<1x512x16xbf16, #tpu.memory_space<hbm>>
    %dma_wait3A_249 = tpu.memref_squeeze %dma_wait3A_248 : memref<1x512x16xbf16, #tpu.memory_space<hbm>> -> memref<512x16xbf16, #tpu.memory_space<hbm>>
    %dma_wait3A_250 = arith.constant 512 : i32
    %dma_wait3A_251 = arith.constant 0 : i32
    %dma_wait3A_252 = tpu.memref_slice %arg4[%add3A_140, %dma_wait3A_250, %dma_wait3A_251] : memref<96x1024x16xbf16, #tpu.memory_space<hbm>> -> memref<1x512x16xbf16, #tpu.memory_space<hbm>>
    %dma_wait3A_253 = tpu.memref_squeeze %dma_wait3A_252 : memref<1x512x16xbf16, #tpu.memory_space<hbm>> -> memref<512x16xbf16, #tpu.memory_space<hbm>>
    %dma_wait3A_254 = arith.constant 0 : i32
    %dma_wait3A_255 = arith.constant 0 : i32
    %dma_wait3A_256 = tpu.memref_slice %arg10[%dma_wait3A_254, %dma_wait3A_255] : memref<1024x16xbf16, #tpu.memory_space<vmem>> -> memref<512x16xbf16, #tpu.memory_space<vmem>>
    tpu.wait_dma2 semaphore(%arg12 : memref<!tpu.dma_semaphore, #tpu.memory_space<semaphore_mem>>) src(%dma_wait3A_256 : memref<512x16xbf16, #tpu.memory_space<vmem>>) dst(%dma_wait3A_253 : memref<512x16xbf16, #tpu.memory_space<hbm>>)
    return
  }
}

module attributes {stable_mosaic.version = 14 : i64} {
  func.func @_fft_body(%arg0: i32, %arg1: memref<1x256x256xf32, #tpu.memory_space<vmem>>, %arg2: memref<256x256xf32, #tpu.memory_space<vmem>>, %arg3: memref<256x256xf32, #tpu.memory_space<vmem>>, %arg4: memref<256x256xf32, #tpu.memory_space<vmem>>, %arg5: memref<256x256xf32, #tpu.memory_space<vmem>>, %arg6: memref<1x256x256xbf16, #tpu.memory_space<vmem>>, %arg7: memref<1x256x256xbf16, #tpu.memory_space<vmem>>) attributes {dimension_semantics = [#tpu.dimension_semantics<arbitrary>], iteration_bounds = array<i64: 8>, scalar_prefetch = 0 : i64, scratch_operands = 0 : i64, tpu.core_type = #tpu.core_type<tc>, window_params = [{transform_indices = @transform_0, window_bounds = array<i64: 1, 256, 256>}, {pipeline_mode = #tpu.pipeline_mode<synchronous>, transform_indices = @transform_1, window_bounds = array<i64: 256, 256>}, {pipeline_mode = #tpu.pipeline_mode<synchronous>, transform_indices = @transform_2, window_bounds = array<i64: 256, 256>}, {pipeline_mode = #tpu.pipeline_mode<synchronous>, transform_indices = @transform_3, window_bounds = array<i64: 256, 256>}, {pipeline_mode = #tpu.pipeline_mode<synchronous>, transform_indices = @transform_4, window_bounds = array<i64: 256, 256>}, {transform_indices = @transform_5, window_bounds = array<i64: 1, 256, 256>}, {transform_indices = @transform_6, window_bounds = array<i64: 1, 256, 256>}]} {
    %get3A = arith.constant 0 : index
    %get3A_0 = arith.constant 0 : index
    %get3A_1 = arith.constant 0 : index
    %get3A_2 = vector.load %arg1[%get3A, %get3A_0, %get3A_1] : memref<1x256x256xf32, #tpu.memory_space<vmem>>, vector<1x256x256xf32>
    %get3A_3 = vector.shape_cast %get3A_2 : vector<1x256x256xf32> to vector<256x256xf32>
    %get3A_4 = arith.constant 0 : index
    %get3A_5 = arith.constant 0 : index
    %get3A_6 = vector.load %arg2[%get3A_4, %get3A_5] : memref<256x256xf32, #tpu.memory_space<vmem>>, vector<256x256xf32>
    %get3A_7 = arith.constant 0 : index
    %get3A_8 = arith.constant 0 : index
    %get3A_9 = vector.load %arg3[%get3A_7, %get3A_8] : memref<256x256xf32, #tpu.memory_space<vmem>>, vector<256x256xf32>
    %dot_general3A = arith.constant dense<0.000000e+00> : vector<256x256xf32>
    %dot_general3A_10 = tpu.matmul %get3A_6, %get3A_3, %dot_general3A {dimension_numbers = #tpu.dot_dimension_numbers<[1], [0], [0], [1], [0, 0, 1, 1], [], []>, transpose_lhs_hint = false} : vector<256x256xf32>, vector<256x256xf32>, vector<256x256xf32> -> vector<256x256xf32>
    %dot_general3A_11 = arith.constant dense<0.000000e+00> : vector<256x256xf32>
    %dot_general3A_12 = tpu.matmul %get3A_9, %get3A_3, %dot_general3A_11 {dimension_numbers = #tpu.dot_dimension_numbers<[1], [0], [0], [1], [0, 0, 1, 1], [], []>, transpose_lhs_hint = false} : vector<256x256xf32>, vector<256x256xf32>, vector<256x256xf32> -> vector<256x256xf32>
    %get3A_13 = arith.constant 0 : index
    %get3A_14 = arith.constant 0 : index
    %get3A_15 = vector.load %arg4[%get3A_13, %get3A_14] : memref<256x256xf32, #tpu.memory_space<vmem>>, vector<256x256xf32>
    %get3A_16 = arith.constant 0 : index
    %get3A_17 = arith.constant 0 : index
    %get3A_18 = vector.load %arg5[%get3A_16, %get3A_17] : memref<256x256xf32, #tpu.memory_space<vmem>>, vector<256x256xf32>
    %mul3A = arith.mulf %dot_general3A_10, %get3A_15 : vector<256x256xf32>
    %mul3A_19 = arith.mulf %dot_general3A_12, %get3A_18 : vector<256x256xf32>
    %sub3A = arith.subf %mul3A, %mul3A_19 : vector<256x256xf32>
    %mul3A_20 = arith.mulf %dot_general3A_10, %get3A_18 : vector<256x256xf32>
    %mul3A_21 = arith.mulf %dot_general3A_12, %get3A_15 : vector<256x256xf32>
    %add3A = arith.addf %mul3A_20, %mul3A_21 : vector<256x256xf32>
    %dot_general3A_22 = arith.constant dense<0.000000e+00> : vector<256x256xf32>
    %dot_general3A_23 = tpu.matmul %sub3A, %get3A_6, %dot_general3A_22 {dimension_numbers = #tpu.dot_dimension_numbers<[1], [0], [0], [1], [0, 0, 1, 1], [], []>, transpose_lhs_hint = false} : vector<256x256xf32>, vector<256x256xf32>, vector<256x256xf32> -> vector<256x256xf32>
    %dot_general3A_24 = arith.constant dense<0.000000e+00> : vector<256x256xf32>
    %dot_general3A_25 = tpu.matmul %add3A, %get3A_9, %dot_general3A_24 {dimension_numbers = #tpu.dot_dimension_numbers<[1], [0], [0], [1], [0, 0, 1, 1], [], []>, transpose_lhs_hint = false} : vector<256x256xf32>, vector<256x256xf32>, vector<256x256xf32> -> vector<256x256xf32>
    %sub3A_26 = arith.subf %dot_general3A_23, %dot_general3A_25 : vector<256x256xf32>
    %convert_element_type3A = arith.truncf %sub3A_26 : vector<256x256xf32> to vector<256x256xbf16>
    %swap3A = arith.constant 0 : index
    %swap3A_27 = arith.constant 0 : index
    %swap3A_28 = arith.constant 0 : index
    %swap3A_29 = vector.load %arg6[%swap3A, %swap3A_27, %swap3A_28] : memref<1x256x256xbf16, #tpu.memory_space<vmem>>, vector<1x256x256xbf16>
    %swap3A_30 = vector.shape_cast %swap3A_29 : vector<1x256x256xbf16> to vector<256x256xbf16>
    %swap3A_31 = vector.shape_cast %convert_element_type3A : vector<256x256xbf16> to vector<1x256x256xbf16>
    tpu.vector_store %arg6[%swap3A, %swap3A_27, %swap3A_28], %swap3A_31 {strides = array<i32>} : memref<1x256x256xbf16, #tpu.memory_space<vmem>>, vector<1x256x256xbf16>,
    %dot_general3A_32 = arith.constant dense<0.000000e+00> : vector<256x256xf32>
    %dot_general3A_33 = tpu.matmul %sub3A, %get3A_9, %dot_general3A_32 {dimension_numbers = #tpu.dot_dimension_numbers<[1], [0], [0], [1], [0, 0, 1, 1], [], []>, transpose_lhs_hint = false} : vector<256x256xf32>, vector<256x256xf32>, vector<256x256xf32> -> vector<256x256xf32>
    %dot_general3A_34 = arith.constant dense<0.000000e+00> : vector<256x256xf32>
    %dot_general3A_35 = tpu.matmul %add3A, %get3A_6, %dot_general3A_34 {dimension_numbers = #tpu.dot_dimension_numbers<[1], [0], [0], [1], [0, 0, 1, 1], [], []>, transpose_lhs_hint = false} : vector<256x256xf32>, vector<256x256xf32>, vector<256x256xf32> -> vector<256x256xf32>
    %add3A_36 = arith.addf %dot_general3A_33, %dot_general3A_35 : vector<256x256xf32>
    %convert_element_type3A_37 = arith.truncf %add3A_36 : vector<256x256xf32> to vector<256x256xbf16>
    %swap3A_38 = arith.constant 0 : index
    %swap3A_39 = arith.constant 0 : index
    %swap3A_40 = arith.constant 0 : index
    %swap3A_41 = vector.load %arg7[%swap3A_38, %swap3A_39, %swap3A_40] : memref<1x256x256xbf16, #tpu.memory_space<vmem>>, vector<1x256x256xbf16>
    %swap3A_42 = vector.shape_cast %swap3A_41 : vector<1x256x256xbf16> to vector<256x256xbf16>
    %swap3A_43 = vector.shape_cast %convert_element_type3A_37 : vector<256x256xbf16> to vector<1x256x256xbf16>
    tpu.vector_store %arg7[%swap3A_38, %swap3A_39, %swap3A_40], %swap3A_43 {strides = array<i32>} : memref<1x256x256xbf16, #tpu.memory_space<vmem>>, vector<1x256x256xbf16>,
    return
  }
  func.func @transform_0(%arg0: i32) -> (i32, i32, i32) {
    %c0_i32 = arith.constant 0 : i32
    %c0_i32_0 = arith.constant 0 : i32
    %c0_i32_1 = arith.constant 0 : i32
    return %arg0, %c0_i32, %c0_i32_0 : i32, i32, i32
  }
  func.func @transform_1(%arg0: i32) -> (i32, i32) {
    %c0_i32 = arith.constant 0 : i32
    %c0_i32_0 = arith.constant 0 : i32
    %c0_i32_1 = arith.constant 0 : i32
    return %c0_i32, %c0_i32_0 : i32, i32
  }
  func.func @transform_2(%arg0: i32) -> (i32, i32) {
    %c0_i32 = arith.constant 0 : i32
    %c0_i32_0 = arith.constant 0 : i32
    %c0_i32_1 = arith.constant 0 : i32
    return %c0_i32, %c0_i32_0 : i32, i32
  }
  func.func @transform_3(%arg0: i32) -> (i32, i32) {
    %c0_i32 = arith.constant 0 : i32
    %c0_i32_0 = arith.constant 0 : i32
    %c0_i32_1 = arith.constant 0 : i32
    return %c0_i32, %c0_i32_0 : i32, i32
  }
  func.func @transform_4(%arg0: i32) -> (i32, i32) {
    %c0_i32 = arith.constant 0 : i32
    %c0_i32_0 = arith.constant 0 : i32
    %c0_i32_1 = arith.constant 0 : i32
    return %c0_i32, %c0_i32_0 : i32, i32
  }
  func.func @transform_5(%arg0: i32) -> (i32, i32, i32) {
    %c0_i32 = arith.constant 0 : i32
    %c0_i32_0 = arith.constant 0 : i32
    %c0_i32_1 = arith.constant 0 : i32
    return %arg0, %c0_i32, %c0_i32_0 : i32, i32, i32
  }
  func.func @transform_6(%arg0: i32) -> (i32, i32, i32) {
    %c0_i32 = arith.constant 0 : i32
    %c0_i32_0 = arith.constant 0 : i32
    %c0_i32_1 = arith.constant 0 : i32
    return %arg0, %c0_i32, %c0_i32_0 : i32, i32, i32
  }
}

module attributes {stable_mosaic.version = 14 : i64} {
  func.func @_idft_body(%arg0: i32, %arg1: memref<4x96x1024xbf16, #tpu.memory_space<vmem>>, %arg2: memref<4x96x1024xbf16, #tpu.memory_space<vmem>>, %arg3: memref<96x1024xf32, #tpu.memory_space<vmem>>, %arg4: memref<1024x2048xbf16, #tpu.memory_space<vmem>>, %arg5: memref<1024x2048xbf16, #tpu.memory_space<vmem>>, %arg6: memref<4x96x2048xf32, #tpu.memory_space<vmem>>) attributes {dimension_semantics = [#tpu.dimension_semantics<arbitrary>], iteration_bounds = array<i64: 2>, scalar_prefetch = 0 : i64, scratch_operands = 0 : i64, tpu.core_type = #tpu.core_type<tc>, window_params = [{transform_indices = @transform_0, window_bounds = array<i64: 4, 96, 1024>}, {transform_indices = @transform_1, window_bounds = array<i64: 4, 96, 1024>}, {pipeline_mode = #tpu.pipeline_mode<synchronous>, transform_indices = @transform_2, window_bounds = array<i64: 96, 1024>}, {pipeline_mode = #tpu.pipeline_mode<synchronous>, transform_indices = @transform_3, window_bounds = array<i64: 1024, 2048>}, {pipeline_mode = #tpu.pipeline_mode<synchronous>, transform_indices = @transform_4, window_bounds = array<i64: 1024, 2048>}, {transform_indices = @transform_5, window_bounds = array<i64: 4, 96, 2048>}]} {
    %get3A = arith.constant 0 : index
    %get3A_0 = arith.constant 0 : index
    %get3A_1 = vector.load %arg3[%get3A, %get3A_0] : memref<96x1024xf32, #tpu.memory_space<vmem>>, vector<96x1024xf32>
    %convert_element_type3A = arith.truncf %get3A_1 : vector<96x1024xf32> to vector<96x1024xbf16>
    %get3A_2 = arith.constant 0 : index
    %get3A_3 = arith.constant 0 : index
    %get3A_4 = arith.constant 0 : index
    %get3A_5 = vector.load %arg1[%get3A_2, %get3A_3, %get3A_4] : memref<4x96x1024xbf16, #tpu.memory_space<vmem>>, vector<4x96x1024xbf16>
    %broadcast_in_dim3A = vector.shape_cast %convert_element_type3A : vector<96x1024xbf16> to vector<1x96x1024xbf16>
    %mul3A = vector.broadcast %broadcast_in_dim3A : vector<1x96x1024xbf16> to vector<4x96x1024xbf16>
    %mul3A_6 = arith.mulf %get3A_5, %mul3A : vector<4x96x1024xbf16>
    %reshape3A = vector.shape_cast %mul3A_6 : vector<4x96x1024xbf16> to vector<384x1024xbf16>
    %get3A_7 = arith.constant 0 : index
    %get3A_8 = arith.constant 0 : index
    %get3A_9 = arith.constant 0 : index
    %get3A_10 = vector.load %arg2[%get3A_7, %get3A_8, %get3A_9] : memref<4x96x1024xbf16, #tpu.memory_space<vmem>>, vector<4x96x1024xbf16>
    %broadcast_in_dim3A_11 = vector.shape_cast %convert_element_type3A : vector<96x1024xbf16> to vector<1x96x1024xbf16>
    %mul3A_12 = vector.broadcast %broadcast_in_dim3A_11 : vector<1x96x1024xbf16> to vector<4x96x1024xbf16>
    %mul3A_13 = arith.mulf %get3A_10, %mul3A_12 : vector<4x96x1024xbf16>
    %reshape3A_14 = vector.shape_cast %mul3A_13 : vector<4x96x1024xbf16> to vector<384x1024xbf16>
    %get3A_15 = arith.constant 0 : index
    %get3A_16 = arith.constant 0 : index
    %get3A_17 = vector.load %arg4[%get3A_15, %get3A_16] : memref<1024x2048xbf16, #tpu.memory_space<vmem>>, vector<1024x2048xbf16>
    %dot_general3A = arith.constant dense<0.000000e+00> : vector<384x2048xf32>
    %dot_general3A_18 = tpu.matmul %reshape3A, %get3A_17, %dot_general3A {dimension_numbers = #tpu.dot_dimension_numbers<[1], [0], [0], [1], [0, 0, 1, 1], [], []>, transpose_lhs_hint = false} : vector<384x1024xbf16>, vector<1024x2048xbf16>, vector<384x2048xf32> -> vector<384x2048xf32>
    %get3A_19 = arith.constant 0 : index
    %get3A_20 = arith.constant 0 : index
    %get3A_21 = vector.load %arg5[%get3A_19, %get3A_20] : memref<1024x2048xbf16, #tpu.memory_space<vmem>>, vector<1024x2048xbf16>
    %dot_general3A_22 = arith.constant dense<0.000000e+00> : vector<384x2048xf32>
    %dot_general3A_23 = tpu.matmul %reshape3A_14, %get3A_21, %dot_general3A_22 {dimension_numbers = #tpu.dot_dimension_numbers<[1], [0], [0], [1], [0, 0, 1, 1], [], []>, transpose_lhs_hint = false} : vector<384x1024xbf16>, vector<1024x2048xbf16>, vector<384x2048xf32> -> vector<384x2048xf32>
    %add3A = arith.addf %dot_general3A_18, %dot_general3A_23 : vector<384x2048xf32>
    %reshape3A_24 = vector.shape_cast %add3A : vector<384x2048xf32> to vector<4x96x2048xf32>
    %swap3A = arith.constant 0 : index
    %swap3A_25 = arith.constant 0 : index
    %swap3A_26 = arith.constant 0 : index
    %swap3A_27 = vector.load %arg6[%swap3A, %swap3A_25, %swap3A_26] : memref<4x96x2048xf32, #tpu.memory_space<vmem>>, vector<4x96x2048xf32>
    tpu.vector_store %arg6[%swap3A, %swap3A_25, %swap3A_26], %reshape3A_24 {strides = array<i32>} : memref<4x96x2048xf32, #tpu.memory_space<vmem>>, vector<4x96x2048xf32>,
    return
  }
  func.func @transform_0(%arg0: i32) -> (i32, i32, i32) {
    %c0_i32 = arith.constant 0 : i32
    %c0_i32_0 = arith.constant 0 : i32
    %c0_i32_1 = arith.constant 0 : i32
    return %arg0, %c0_i32, %c0_i32_0 : i32, i32, i32
  }
  func.func @transform_1(%arg0: i32) -> (i32, i32, i32) {
    %c0_i32 = arith.constant 0 : i32
    %c0_i32_0 = arith.constant 0 : i32
    %c0_i32_1 = arith.constant 0 : i32
    return %arg0, %c0_i32, %c0_i32_0 : i32, i32, i32
  }
  func.func @transform_2(%arg0: i32) -> (i32, i32) {
    %c0_i32 = arith.constant 0 : i32
    %c0_i32_0 = arith.constant 0 : i32
    %c0_i32_1 = arith.constant 0 : i32
    return %c0_i32, %c0_i32_0 : i32, i32
  }
  func.func @transform_3(%arg0: i32) -> (i32, i32) {
    %c0_i32 = arith.constant 0 : i32
    %c0_i32_0 = arith.constant 0 : i32
    %c0_i32_1 = arith.constant 0 : i32
    return %c0_i32, %c0_i32_0 : i32, i32
  }
  func.func @transform_4(%arg0: i32) -> (i32, i32) {
    %c0_i32 = arith.constant 0 : i32
    %c0_i32_0 = arith.constant 0 : i32
    %c0_i32_1 = arith.constant 0 : i32
    return %c0_i32, %c0_i32_0 : i32, i32
  }
  func.func @transform_5(%arg0: i32) -> (i32, i32, i32) {
    %c0_i32 = arith.constant 0 : i32
    %c0_i32_0 = arith.constant 0 : i32
    %c0_i32_1 = arith.constant 0 : i32
    return %arg0, %c0_i32, %c0_i32_0 : i32, i32, i32
  }
}

</mosaic_0001>

<sc_bundles>
// kernel: kernel.5.cloned.1.call-start
scs
__scs_entry_jumppad:
0x0: {  	(pc) =	sbr.rel $0x88, $3  }
0x1: {  	(tag) =	ssettag $0x0;
	lr =	simm.s32 $0x1  }
0x2: {  	[smem:$0x3F9E] =	sst lr;
	_ =	strace $0xD0000000  }
0x3: {  	_ = 	snop  }
0x4: {  	_ = 	snop  }
0x5: {  	_ = 	snop  }
0x6: {  	_ = 	snop  }
0x7: {  	_ = 	snop  }
__scs_overlays_trampoline_lowered:
0x8: {  	[smem:$0x3FAD] =	sst s0  }
0x9: {  	[smem:$0x3FAE] =	sst s1  }
0xa: {  	[smem:$0x3FAF] =	sst s2  }
0xb: {  	[smem:$0x3FB0] =	sst s3  }
0xc: {  	[smem:$0x3FB1] =	sst s4  }
0xd: {  	[smem:$0x3FB2] =	sst s5  }
0xe: {  	[smem:$0x3FB3] =	sst s6  }
0xf: {  	[smem:$0x3FB4] =	sst s7  }
0x10: {  	[smem:$0x3FB5] =	sst s8  }
0x11: {  	[smem:$0x3FB6] =	sst s9;
	s0 =	simm.s32 @!p0 $0x0  }
0x12: {  	s1 =	sld [smem:$0x3F9C];
	s0 =	simm.s32 @p0 $0x1  }
0x13: {  	[smem:$0x3FB7] =	sst s0;
	s0 =	simm.s32 @!p1 $0x0  }
0x14: {  	s2 =	sld [smem:$0x3F9B];
	s0 =	simm.s32 @p1 $0x1  }
0x15: {  	[smem:$0x3FB8] =	sst s0;
	s0 =	simm.s32 @!p2 $0x0  }
0x16: {  	s3 =	sld [smem:$0x3FDB];
	s0 =	simm.s32 @p2 $0x1  }
0x17: {  	s4 =	simm.s32 $0x1BF5;
	[smem:$0x3FBA] =	sst s0  }
0x18: {  	s0 =	sld [smem:$0x3F9D];
	_ =	swait.ge [sflag:s4], $0x0  }
0x19: {  	s7 =	sld [smem:$0x3F9E]  }
0x1a: {  	s8 =	sadd.s32 $0xFFFFE003, lr  }
0x1b: {  	s9 =	sadd.s32 $0xFFFFFEF7, lr;
	s5 =	simm.s32 $0xFFFFFFFF;
	p2 =	slt.u32 s8, $0xFFFFF086  }
0x1c: {  	p1 =	slt.u32 s9, $0xF7A;
	s5 =	simm.s32 @!p2 $0x0  }
0x1d: {  	s5 =	simm.s32 @p1 $0x1;
	p0 =	seq.s32 s7, s2  }
0x1e: {  	s7 =	smul.u32 @!p0 $0xF7A, s2;
	p2 =	seq.s32 @!p0 s5, $0x0  }
0x1f: {  	s9 =	smul.u32 $0xF7A, s1;
	s8 =	simm.s32 @!p0 $0x1BF5;
	p2 =	por !p2, p0  }
0x20: {  	[sflag:s8] =	ssyncset.s32 @!p0 $0xFFFFF086;
	s6 =	sadd.s32 @!p0 s3, s7;
	s7 =	simm.s32 @!p0 $0x108  }
0x21: {  	s3 =	sadd.s32 s3, s9;
	s6 =	sadd.s32 @!p0 $0x88, s6;
	s7 =	simm.s32 @p2 $0x1082  }
0x22: {  	[simem:s7], [sflag:s8] =	dma.local @!p0 [hbm:s6], $0xF7A  }
0x23: {  	s9 =	sor.u32 $0xD0000000, s2;
	s6 =	simm.s32 $0x108;
	_ =	swait.ge @!p0 [sflag:s8], $0x0  }
0x24: {  	s3 =	sadd.s32 $0x88, s3;
	s6 =	simm.s32 @!p1 $0x1082;
	[sflag:s4] =	ssyncset.s32 $0xFFFFF086  }
0x25: {  	[simem:s6], [sflag:s4] =	dma.local [hbm:s3], $0xF7A  }
0x26: {  	[smem:$0x3F9E] =	sst s1;
	(tag) =	ssettag s2;
	_ =	strace s9  }
0x27: {  	s1 =	sld [smem:$0x3FAE]  }
0x28: {  	s2 =	sld [smem:$0x3FAF]  }
0x29: {  	s4 =	sld [smem:$0x3FB1]  }
0x2a: {  	p0 =	seq.s32 s5, $0x0;
	s5 =	sld [smem:$0x3FB2]  }
0x2b: {  	s6 =	sld [smem:$0x3FB3]  }
0x2c: {  	s7 =	sld [smem:$0x3FB4]  }
0x2d: {  	s3 =	simm.s32 $0x108;
	s8 =	sld [smem:$0x3FB5]  }
0x2e: {  	s3 =	simm.s32 @!p0 $0x1082;
	s9 =	sld [smem:$0x3FB6]  }
0x2f: {  	lr =	sadd.s32 s0, s3;
	s0 =	sld [smem:$0x3FAD]  }
0x30: {  	s3 =	sld [smem:$0x3FB0]  }
0x31: {  	[smem:$0x3FB9] =	sst s10  }
0x32: {  	s10 =	sld [smem:$0x3FB7];
	_ =	sdelay $0x3  }
0x33: {  	p0 =	seq.s32 s10, $0x1;
	s10 =	sld [smem:$0x3FB9];
	_ =	sdelay $0x3  }
0x34: {  	[smem:$0x3FB9] =	sst s10  }
0x35: {  	s10 =	sld [smem:$0x3FB8];
	_ =	sdelay $0x3  }
0x36: {  	p1 =	seq.s32 s10, $0x1;
	s10 =	sld [smem:$0x3FB9];
	_ =	sdelay $0x3  }
0x37: {  	[smem:$0x3FB9] =	sst s10  }
0x38: {  	s10 =	sld [smem:$0x3FBA]  }
0x39: {  	_ = 	snop;
	(pc) =	sbr.ind lr, $3  }
0x3a: {  	_ = 	snop  }
0x3b: {  	_ = 	snop  }
0x3c: {  	p2 =	seq.s32 s10, $0x1;
	s10 =	sld [smem:$0x3FB9]  }
0x3d: {  	_ =	shalt  }
0x3e: {  	_ =	shalt  }
0x3f: {  	_ =	shalt  }
0x40: {  	_ =	shalt  }
0x41: {  	_ =	shalt  }
0x42: {  	_ =	shalt  }
0x43: {  	_ =	shalt  }
0x44: {  	_ =	shalt  }
0x45: {  	_ =	shalt  }
0x46: {  	_ =	shalt  }
0x47: {  	_ =	shalt  }
0x48: {  	_ =	shalt  }
0x49: {  	_ =	shalt  }
0x4a: {  	_ =	shalt  }
0x4b: {  	_ =	shalt  }
0x4c: {  	_ =	shalt  }
0x4d: {  	_ =	shalt  }
0x4e: {  	_ =	shalt  }
0x4f: {  	_ =	shalt  }
0x50: {  	_ =	shalt  }
0x51: {  	_ =	shalt  }
0x52: {  	_ =	shalt  }
0x53: {  	_ =	shalt  }
0x54: {  	_ =	shalt  }
0x55: {  	_ =	shalt  }
0x56: {  	_ =	shalt  }
0x57: {  	_ =	shalt  }
0x58: {  	_ =	shalt  }
0x59: {  	_ =	shalt  }
0x5a: {  	_ =	shalt  }
0x5b: {  	_ =	shalt  }
0x5c: {  	_ =	shalt  }
0x5d: {  	_ =	shalt  }
0x5e: {  	_ =	shalt  }
0x5f: {  	_ =	shalt  }
0x60: {  	_ =	shalt  }
0x61: {  	_ =	shalt  }
0x62: {  	_ =	shalt  }
0x63: {  	_ =	shalt  }
0x64: {  	_ =	shalt  }
0x65: {  	_ =	shalt  }
0x66: {  	_ =	shalt  }
0x67: {  	_ =	shalt  }
0x68: {  	_ =	shalt  }
0x69: {  	_ =	shalt  }
0x6a: {  	_ =	shalt  }
0x6b: {  	_ =	shalt  }
0x6c: {  	_ =	shalt  }
0x6d: {  	_ =	shalt  }
0x6e: {  	_ =	shalt  }
0x6f: {  	_ =	shalt  }
0x70: {  	_ =	shalt  }
0x71: {  	_ =	shalt  }
0x72: {  	_ =	shalt  }
0x73: {  	_ =	shalt  }
0x74: {  	_ =	shalt  }
0x75: {  	_ =	shalt  }
0x76: {  	_ =	shalt  }
0x77: {  	_ =	shalt  }
0x78: {  	_ =	shalt  }
0x79: {  	_ =	shalt  }
0x7a: {  	_ =	shalt  }
0x7b: {  	_ =	shalt  }
0x7c: {  	_ =	shalt  }
0x7d: {  	_ =	shalt  }
0x7e: {  	_ =	shalt  }
0x7f: {  	_ =	shalt  }
0x80: {  	_ =	shalt  }
0x81: {  	_ =	shalt  }
0x82: {  	_ =	shalt  }
0x83: {  	_ =	shalt  }
0x84: {  	_ =	shalt  }
0x85: {  	_ =	shalt  }
0x86: {  	_ =	shalt  }
0x87: {  	_ =	shalt  }
.Lfunc_end0:
.L_simem_size_0:
called_computation_lowered:
.L_overlay_start_0:
0x88: {  	s2 =	sld [smem:$0x3FD9]  }
0x89: {  	s3 =	sld [smem:$0x3FFE];
	_ =	sdelay $0x1  }
0x8a: {  	s1 =	srdreg.scid  }
0x8b: {  	s0 =	sand.u32 $0x1, s1  }
0x8c: {  	s17 =	sshll.u32 s0, $0xA;
	s2 =	sadd.s32 s3, s2  }
0x8d: {  	s2 =	sadd.s32 s2, s17  }
0x8e: {  	[smem:$0x3FC5] =	sst s2  }
0x8f: {  	_ = 	snop  }
0x90: {  	s2 =	sld [smem:$0x3FD0];
	(tm) =	ssettm $0x1  }
0x91: {  	s18 =	sld [smem:$0x3FFB];
	_ =	sdelay $0x3  }
0x92: {  	_ =	strace s18  }
0x93: {  	s3 =	sld [smem:$0x3FFC];
	_ =	sdelay $0x3  }
0x94: {  	_ =	strace s3  }
0x95: {  	s3 =	sld [smem:$0x3FFD];
	_ =	sdelay $0x3  }
0x96: {  	_ =	strace s3  }
0x97: {  	_ =	strace $0x8FFFFFFF  }
0x98: {  	s19 =	sld [smem:$0x3FDB];
	_ =	sdelay $0x1  }
0x99: {  	s4 =	simm.s32 $_scs_section_size  }
0x9a: {  	s5 =	simm.s32 $_size__tile_overlayer_lowered;
	s6 =	simm.s32 $_tile_overlayer_lowered  }
0x9b: {  	s22 =	simm.s32 $0x1BFF;
	s21 =	sshll.u32 s6, $0x1;
	s3 =	sadd.s32 s4, s19  }
0x9c: {  	s7 =	simm.s32 $0x0;
	s20 =	sshll.u32 s5, $0x1;
	s5 =	sadd.s32 s21, s3  }
0x9d: {  	[timem:s7], [sflag:s22] =	dma.local [hbm:s5], s20  }
0x9e: {  	_ =	swait.ge [sflag:s22], s20  }
0x9f: {  	s4 =	ssub.s32 $0x0, s20;
	[sflag:s22] =	ssyncset.done $0x0  }
0xa0: {  	[sflag:s22] =	ssyncadd.s32 s4;
	_ =	sdelay $0x1  }
0xa1: {  	s23 =	simm.s32 $0x1B8B  }
0xa2: {  	_ =	swait.ge [sflag:s23], $0x1  }
0xa3: {  	[sflag:s23] =	ssyncset.done $0x0  }
0xa4: {  	s25 =	simm.s32 $0x1B8E;
	s24 =	sld [smem:$0x3FFE];
	[sflag:s23] =	ssyncadd.s32 $0xFFFFFFFF  }
0xa5: {  	s26 =	simm.s32 $execute0_lowered;
	[smem:$0x3FD2] =	sst s25  }
0xa6: {  	s5 =	sshll.u32 s26, $0x1;
	_ =	strace $0x80000046;
	[dreg:$0x1] =	wrdreg $0xFFFFFFFF  }
0xa7: {  	s28 =	simm.s32 $_size_execute0_lowered;
	s3 =	sadd.s32 s3, s5;
	[dreg:$0x0] =	wrdreg $0x0  }
0xa8: {  	s5 =	sshll.u32 s28, $0x1;
	[dreg:$0x2] =	wrdreg s3  }
0xa9: {  	[dreg:$0x3] =	wrdreg s5  }
0xaa: {  	[dreg:$0x4] =	wrdreg $0xC0  }
0xab: {  	_ =	task [dreg:s7], $0x5FFFF  }
0xac: {  	[dreg:$0x1] =	wrdreg $0xFFFFFFFF  }
0xad: {  	[dreg:$0x0] =	wrdreg $0x60  }
0xae: {  	[dreg:$0x2] =	wrdreg s24  }
0xaf: {  	[dreg:$0x3] =	wrdreg s2  }
0xb0: {  	[dreg:$0x4] =	wrdreg $0x9  }
0xb1: {  	_ =	task.clear_ibuf [dreg:s7], $0x5FFFF;
	_ =	strace $0x90000046  }
0xb2: {  	s29 =	simm.s32 $0x9;
	_ =	strace $0x80000048  }
0xb3: {  	_ =	swait.ge [sflag:s29], $0x1  }
0xb4: {  	[sflag:s29] =	ssyncadd.s32 $0xFFFFFFFF  }
0xb5: {  	_ =	strace $0x90000048  }
0xb6: {  	_ =	sfence  }
0xb7: {  	s30 =	sld [smem:$0x0];
	_ =	sdelay $0x2  }
0xb8: {  	s31 =	sshll.u32 s1, $0xD;
	s1 =	sshrl.u32 s1, $0x2  }
0xb9: {  	s3 =	sand.u32 $0x4000, s31;
	s1 =	sadd.s32 s1, s30  }
0xba: {  	s0 =	sor.u32 s3, s0;
	s1 =	sshll.u32 s1, $0x11  }
0xbb: {  	s0 =	sor.u32 s1, s0  }
0xbc: {  	s0 =	sadd.s32 $0x8F2B, s0  }
0xbd: {  	[sflag:s0] =	ssyncadd.remote.s32 $0x1  }
0xbe: {  	_ =	sfence.sel $0xFFFF  }
0xbf: {  	[dreg:$0x0] =	wrdreg $0xFFFFFFFF;
	(pc) =	sbr.abs _section_cstart, $3  }
0xc0: {  	[dreg:$0x1] =	wrdreg $0xFFFFFFFF  }
0xc1: {  	_ =	task.clear_ibuf [dreg:s7], $0x2FFFF;
	_ =	strace $0x9FFFFFFF  }
0xc2: {  	(tm) =	ssettm $0x7FFFFFFF  }
0xc3: {  	_ =	shalt  }
tec
execute0_lowered:
.L_overlay_start_1:
0x0: {  	(tag) =	ssettag $0x1  }
0x1: {  	s3 =	rddreg [dreg:$0x0]  }
0x2: {  	s5 =	rddreg [dreg:$0x1]  }
0x3: {  	s0 =	rddreg [dreg:$0x2]  }
0x4: {  	s4 =	srdreg.scid;
	s1 =	stileid.u32  }
0x5: {  	s2 =	simm.s32 $0x0;
	s20 =	simm.s32 $0x3;
	s22 =	simm.s32 $0x10  }
0x6: {  	s21 =	simm.s32 $0x20;
	s15 =	simm.s32 $0x30;
	s13 =	simm.s32 $0x2030  }
0x7: {  	s17 =	simm.s32 $0x1030;
	s16 =	simm.s32 $0x3030;
	s14 =	simm.s32 $0x5030  }
0x8: {  	p0 =	por $0x0, $0x0;
	s4 =	sand.u32 $0x1, s4;
	s6 =	sshll.u32 s1, $0x1  }
0x9: {  	[smem:$0x7FF] =	sst s2;
	s9 =	sadd.s32 $0xA400, s3;
	s6 =	sor.u32 s4, s6  }
0xa: {  	s12 =	sadd.s32 $0x200, s5;
	_ =	strace $0x80000047;
	s8 =	smul.u32 $0x6, s6  }
0xb: {  	s7 =	ssub.s32 $0x2, s4;
	s4 =	sadd.s32 $0x1E00, s3;
	s11 =	smul.u32 $0x3, s6  }
0xc: {  	s3 =	simm.s32 $0x2;
	s10 =	sshrl.u32 s7, $0x1;
	s6 =	smul.u32 $0xC00, s6  }
0xd: {  	s24 =	ssub.s32 s7, s10;
	s25 =	sadd.s32 s9, s8;
	s26 =	sadd.s32 $0x1, s11  }
0xe: {  	s11 =	sadd.s32 $0x2, s11;
	s10 =	sadd.s32 s6, s12;
	s23 =	smax.u32 s24, $0x1  }
0xf: {  	[dreg:$0x3] =	wrdreg s25;
	s28 =	sshll.u32 s26, $0x1;
	p1 =	sne.s32 s23, $0x1  }
.Ltmp0:
0x10: {  	s29 =	sshll.u32 s11, $0x1;
	s30 =	sshll.u32 s26, $0xA;
	(pc) =	sbr.rel @!p1 .LBB2_3-.Ltmp0, $4  }
0x11: {  	s31 =	sshll.u32 s11, $0xA;
	s11 =	simm.s32 $0x4030;
	s23 =	sadd.s32 $0xFFFFFFFF, s23  }
0x12: {  	s19 =	sadd.s32 s9, s28;
	s18 =	sadd.s32 s9, s29;
	s9 =	sadd.s32 s5, s6  }
0x13: {  	s7 =	sadd.s32 s5, s30;
	s8 =	sadd.s32 s30, s12;
	s5 =	sadd.s32 s5, s31  }
0x14: {  	vm0 =	vmmov $0x1;
	s6 =	sadd.s32 s31, s12;
	s12 =	simm.s32 $0x1;
	s24 =	rddreg [dreg:$0x3]  }
0x15: {  	[tilespmem:s2], [sflag:$0x3] =	stream.linear.gather [hbm4b:s24+s2], $0x10, $0x38;
	[tilespmem:$0x6030] =	vst v63  }
0x16: {  	_ =	swait.ge [sflag:s20], $0x10  }
0x17: {  	[sflag:s20] =	ssyncset.done $0x0  }
0x18: {  	[sflag:s20] =	ssyncadd.s32 $0xFFFFFFF0  }
0x19: {  	[tilespmem:s22], [sflag:$0x3] =	stream.linear.gather [hbm4b:s19+s2], $0x10, $0x38;
	[tilespmem:$0x6030] =	vst v63  }
0x1a: {  	_ =	swait.ge [sflag:s20], $0x10  }
0x1b: {  	[sflag:s20] =	ssyncset.done $0x0  }
0x1c: {  	[sflag:s20] =	ssyncadd.s32 $0xFFFFFFF0  }
0x1d: {  	[tilespmem:s21], [sflag:$0x3] =	stream.linear.gather [hbm4b:s18+s2], $0x10, $0x38;
	[tilespmem:$0x6030] =	vst v63  }
0x1e: {  	_ =	swait.ge [sflag:s20], $0x10  }
0x1f: {  	[sflag:s20] =	ssyncset.done $0x0  }
0x20: {  	[sflag:s20] =	ssyncadd.s32 $0xFFFFFFF0  }
0x21: {  	v0 =	vld [tilespmem:$0x0];
	_ =	sdelay $0x4  }
0x22: {  	v0 =	vnsel vm0, $0x0, v0  }
0x23: {  	v0 =	vxor.u32 $0x80000000, v0  }
0x24: {  	(xrf0) =	vmax.scan.msk.u32 $0xffff, v0;
	_ =	sdelay $0x5  }
0x25: {  	v0, _, _ =	vpop (xrf0)  }
0x26: {  	(v2sf) =	vpush v0, $0xF;
	_ =	sdelay $0xe  }
0x27: {  	s29 =	spop (v2sf)  }
0x28: {  	s24 =	sand.u32 $0xFFFFFFF, s29  }
0x29: {  	s24 =	sadd.s32 s4, s24  }
0x2a: {  	[tilespmem:s15], [sflag:$0x1] =	stream.linear.gather [hbm4b:s24+s2], $0x2000, $0x38;
	[tilespmem:$0x6030] =	vst v63  }
0x2b: {  	v62 =	vld [tilespmem:$0x10];
	_ =	sdelay $0x4  }
0x2c: {  	v0 =	vnsel vm0, $0x0, v62  }
0x2d: {  	v0 =	vxor.u32 $0x80000000, v0  }
0x2e: {  	(xrf0) =	vmax.scan.msk.u32 $0xffff, v0;
	_ =	sdelay $0x5  }
0x2f: {  	v0, _, _ =	vpop (xrf0)  }
0x30: {  	(v2sf) =	vpush v0, $0xF;
	_ =	sdelay $0xe  }
0x31: {  	s30 =	spop (v2sf)  }
0x32: {  	s24 =	sand.u32 $0xFFFFFFF, s30  }
0x33: {  	s24 =	sadd.s32 s4, s24  }
0x34: {  	[tilespmem:s13], [sflag:$0x1] =	stream.linear.gather [hbm4b:s24+s2], $0x2000, $0x38;
	[tilespmem:$0x6030] =	vst v63  }
0x35: {  	v63 =	vld [tilespmem:$0x20];
	_ =	sdelay $0x4  }
0x36: {  	v0 =	vnsel vm0, $0x0, v63  }
0x37: {  	v0 =	vxor.u32 $0x80000000, v0  }
0x38: {  	(xrf0) =	vmax.scan.msk.u32 $0xffff, v0;
	_ =	sdelay $0x5  }
0x39: {  	v0, _, _ =	vpop (xrf0)  }
0x3a: {  	(v2sf) =	vpush v0, $0xF;
	_ =	sdelay $0xe  }
0x3b: {  	s31 =	spop (v2sf)  }
0x3c: {  	s24 =	sand.u32 $0xFFFFFFF, s31  }
0x3d: {  	s24 =	sadd.s32 s4, s24  }
0x3e: {  	[tilespmem:s11], [sflag:$0x1] =	stream.linear.gather [hbm4b:s24+s2], $0x2000, $0x38;
	[tilespmem:$0x6030] =	vst v63  }
0x3f: {  	_ =	swait.ge [sflag:s12], $0x2000  }
0x40: {  	[sflag:s12] =	ssyncset.done $0x0  }
0x41: {  	[sflag:s12] =	ssyncadd.s32 $0xFFFFE000  }
0x42: {  	[hbm4b:s9+s2] =	stream.linear.scatter [tilespmem:s17], [sflag:$0x2], $0x1000, $0x38;
	[tilespmem:$0x6030] =	vst v63  }
0x43: {  	_ = 	snop  }
0x44: {  	[hbm4b:s10+s2] =	stream.linear.scatter [tilespmem:s15], [sflag:$0x2], $0x1000, $0x38;
	[tilespmem:$0x6030] =	vst v63  }
0x45: {  	_ =	swait.ge [sflag:s12], $0x2000  }
0x46: {  	[sflag:s12] =	ssyncset.done $0x0  }
0x47: {  	[sflag:s12] =	ssyncadd.s32 $0xFFFFE000  }
0x48: {  	[hbm4b:s7+s2] =	stream.linear.scatter [tilespmem:s16], [sflag:$0x2], $0x1000, $0x38;
	[tilespmem:$0x6030] =	vst v63  }
0x49: {  	_ = 	snop  }
0x4a: {  	[hbm4b:s8+s2] =	stream.linear.scatter [tilespmem:s13], [sflag:$0x2], $0x1000, $0x38;
	[tilespmem:$0x6030] =	vst v63  }
0x4b: {  	_ =	swait.ge [sflag:s12], $0x2000  }
0x4c: {  	[sflag:s12] =	ssyncset.done $0x0  }
0x4d: {  	[sflag:s12] =	ssyncadd.s32 $0xFFFFE000  }
0x4e: {  	[hbm4b:s5+s2] =	stream.linear.scatter [tilespmem:s14], [sflag:$0x2], $0x1000, $0x38;
	[tilespmem:$0x6030] =	vst v63  }
0x4f: {  	_ = 	snop  }
0x50: {  	[hbm4b:s6+s2] =	stream.linear.scatter [tilespmem:s11], [sflag:$0x2], $0x1000, $0x38;
	[tilespmem:$0x6030] =	vst v63  }
0x51: {  	_ =	swait.ge [sflag:s3], $0x1000  }
0x52: {  	[sflag:s3] =	ssyncset.done $0x0  }
0x53: {  	[sflag:s3] =	ssyncadd.s32 $0xFFFFF000  }
0x54: {  	_ =	swait.ge [sflag:s3], $0x1000  }
0x55: {  	[sflag:s3] =	ssyncset.done $0x0  }
0x56: {  	[sflag:s3] =	ssyncadd.s32 $0xFFFFF000  }
0x57: {  	_ =	swait.ge [sflag:s3], $0x1000  }
0x58: {  	[sflag:s3] =	ssyncset.done $0x0  }
0x59: {  	[sflag:s3] =	ssyncadd.s32 $0xFFFFF000  }
0x5a: {  	_ =	swait.ge [sflag:s3], $0x1000  }
0x5b: {  	[sflag:s3] =	ssyncset.done $0x0  }
0x5c: {  	p1 =	sne.s32 s23, $0x1;
	[sflag:s3] =	ssyncadd.s32 $0xFFFFF000  }
.Ltmp1:
0x5d: {  	_ =	swait.ge [sflag:s3], $0x1000;
	(pc) =	sbr.rel @!p1 .LBB2_3-.Ltmp1, $4  }
0x5e: {  	[sflag:s3] =	ssyncset.done $0x0  }
0x5f: {  	[sflag:s3] =	ssyncadd.s32 $0xFFFFF000  }
0x60: {  	s23 =	sadd.s32 $0xFFFFFFFF, s23;
	_ =	swait.ge [sflag:s3], $0x1000  }
0x61: {  	p0 =	por $0x1, $0x1;
	s24 =	rddreg [dreg:$0x3];
	[sflag:s3] =	ssyncset.done $0x0  }
.LBB2_2:
0x62: {  	[sflag:s3] =	ssyncadd.s32 $0xFFFFF000  }
0x63: {  	[tilespmem:s2], [sflag:$0x3] =	stream.linear.gather [hbm4b:s24+s2], $0x10, $0x38;
	[tilespmem:$0x6030] =	vst v63  }
0x64: {  	_ =	swait.ge [sflag:s20], $0x10  }
0x65: {  	[sflag:s20] =	ssyncset.done $0x0  }
0x66: {  	[sflag:s20] =	ssyncadd.s32 $0xFFFFFFF0  }
0x67: {  	[tilespmem:s22], [sflag:$0x3] =	stream.linear.gather [hbm4b:s19+s2], $0x10, $0x38;
	[tilespmem:$0x6030] =	vst v63  }
0x68: {  	_ =	swait.ge [sflag:s20], $0x10  }
0x69: {  	[sflag:s20] =	ssyncset.done $0x0  }
0x6a: {  	[sflag:s20] =	ssyncadd.s32 $0xFFFFFFF0  }
0x6b: {  	[tilespmem:s21], [sflag:$0x3] =	stream.linear.gather [hbm4b:s18+s2], $0x10, $0x38;
	[tilespmem:$0x6030] =	vst v63  }
0x6c: {  	_ =	swait.ge [sflag:s20], $0x10  }
0x6d: {  	[sflag:s20] =	ssyncset.done $0x0  }
0x6e: {  	[sflag:s20] =	ssyncadd.s32 $0xFFFFFFF0  }
0x6f: {  	v0 =	vld [tilespmem:$0x0];
	_ =	sdelay $0x4  }
0x70: {  	v0 =	vnsel vm0, $0x0, v0  }
0x71: {  	v0 =	vxor.u32 $0x80000000, v0  }
0x72: {  	(xrf0) =	vmax.scan.msk.u32 $0xffff, v0;
	_ =	sdelay $0x5  }
0x73: {  	v0, _, _ =	vpop (xrf0)  }
0x74: {  	(v2sf) =	vpush v0, $0xF;
	_ =	sdelay $0xe  }
0x75: {  	s29 =	spop (v2sf)  }
0x76: {  	s24 =	sand.u32 $0xFFFFFFF, s29  }
0x77: {  	s24 =	sadd.s32 s4, s24  }
0x78: {  	[tilespmem:s15], [sflag:$0x1] =	stream.linear.gather [hbm4b:s24+s2], $0x2000, $0x38;
	[tilespmem:$0x6030] =	vst v63  }
0x79: {  	v62 =	vld [tilespmem:$0x10];
	_ =	sdelay $0x4  }
0x7a: {  	v0 =	vnsel vm0, $0x0, v62  }
0x7b: {  	v0 =	vxor.u32 $0x80000000, v0  }
0x7c: {  	(xrf0) =	vmax.scan.msk.u32 $0xffff, v0;
	_ =	sdelay $0x5  }
0x7d: {  	v0, _, _ =	vpop (xrf0)  }
0x7e: {  	(v2sf) =	vpush v0, $0xF;
	_ =	sdelay $0xe  }
0x7f: {  	s30 =	spop (v2sf)  }
0x80: {  	s24 =	sand.u32 $0xFFFFFFF, s30  }
0x81: {  	s24 =	sadd.s32 s4, s24  }
0x82: {  	[tilespmem:s13], [sflag:$0x1] =	stream.linear.gather [hbm4b:s24+s2], $0x2000, $0x38;
	[tilespmem:$0x6030] =	vst v63  }
0x83: {  	v63 =	vld [tilespmem:$0x20];
	_ =	sdelay $0x4  }
0x84: {  	v0 =	vnsel vm0, $0x0, v63  }
0x85: {  	v0 =	vxor.u32 $0x80000000, v0  }
0x86: {  	(xrf0) =	vmax.scan.msk.u32 $0xffff, v0;
	_ =	sdelay $0x5  }
0x87: {  	v0, _, _ =	vpop (xrf0)  }
0x88: {  	(v2sf) =	vpush v0, $0xF;
	_ =	sdelay $0xe  }
0x89: {  	s31 =	spop (v2sf)  }
0x8a: {  	s24 =	sand.u32 $0xFFFFFFF, s31  }
0x8b: {  	s24 =	sadd.s32 s4, s24  }
0x8c: {  	[tilespmem:s11], [sflag:$0x1] =	stream.linear.gather [hbm4b:s24+s2], $0x2000, $0x38;
	[tilespmem:$0x6030] =	vst v63  }
0x8d: {  	_ =	swait.ge [sflag:s12], $0x2000  }
0x8e: {  	[sflag:s12] =	ssyncset.done $0x0  }
0x8f: {  	[sflag:s12] =	ssyncadd.s32 $0xFFFFE000  }
0x90: {  	[hbm4b:s9+s2] =	stream.linear.scatter [tilespmem:s17], [sflag:$0x2], $0x1000, $0x38;
	[tilespmem:$0x6030] =	vst v63  }
0x91: {  	_ = 	snop  }
0x92: {  	[hbm4b:s10+s2] =	stream.linear.scatter [tilespmem:s15], [sflag:$0x2], $0x1000, $0x38;
	[tilespmem:$0x6030] =	vst v63  }
0x93: {  	_ =	swait.ge [sflag:s12], $0x2000  }
0x94: {  	[sflag:s12] =	ssyncset.done $0x0  }
0x95: {  	[sflag:s12] =	ssyncadd.s32 $0xFFFFE000  }
0x96: {  	[hbm4b:s7+s2] =	stream.linear.scatter [tilespmem:s16], [sflag:$0x2], $0x1000, $0x38;
	[tilespmem:$0x6030] =	vst v63  }
0x97: {  	_ = 	snop  }
0x98: {  	[hbm4b:s8+s2] =	stream.linear.scatter [tilespmem:s13], [sflag:$0x2], $0x1000, $0x38;
	[tilespmem:$0x6030] =	vst v63  }
0x99: {  	_ =	swait.ge [sflag:s12], $0x2000  }
0x9a: {  	[sflag:s12] =	ssyncset.done $0x0  }
0x9b: {  	[sflag:s12] =	ssyncadd.s32 $0xFFFFE000  }
0x9c: {  	[hbm4b:s5+s2] =	stream.linear.scatter [tilespmem:s14], [sflag:$0x2], $0x1000, $0x38;
	[tilespmem:$0x6030] =	vst v63  }
0x9d: {  	_ = 	snop  }
0x9e: {  	[hbm4b:s6+s2] =	stream.linear.scatter [tilespmem:s11], [sflag:$0x2], $0x1000, $0x38;
	[tilespmem:$0x6030] =	vst v63  }
0x9f: {  	_ =	swait.ge [sflag:s3], $0x1000  }
0xa0: {  	[sflag:s3] =	ssyncset.done $0x0  }
0xa1: {  	[sflag:s3] =	ssyncadd.s32 $0xFFFFF000  }
0xa2: {  	_ =	swait.ge [sflag:s3], $0x1000  }
0xa3: {  	[sflag:s3] =	ssyncset.done $0x0  }
0xa4: {  	[sflag:s3] =	ssyncadd.s32 $0xFFFFF000  }
0xa5: {  	_ =	swait.ge [sflag:s3], $0x1000  }
0xa6: {  	[sflag:s3] =	ssyncset.done $0x0  }
0xa7: {  	[sflag:s3] =	ssyncadd.s32 $0xFFFFF000  }
0xa8: {  	_ =	swait.ge [sflag:s3], $0x1000  }
0xa9: {  	[sflag:s3] =	ssyncset.done $0x0  }
0xaa: {  	p1 =	sne.s32 s23, $0x1;
	[sflag:s3] =	ssyncadd.s32 $0xFFFFF000  }
.Ltmp2:
0xab: {  	_ =	swait.ge [sflag:s3], $0x1000;
	(pc) =	sbr.rel @p1 .LBB2_2-.Ltmp2, $4  }
0xac: {  	[sflag:s3] =	ssyncset.done $0x0  }
0xad: {  	[sflag:s3] =	ssyncadd.s32 $0xFFFFF000  }
0xae: {  	_ =	swait.ge [sflag:s3], $0x1000  }
0xaf: {  	s23 =	sadd.s32 $0xFFFFFFFF, s23;
	s24 =	rddreg [dreg:$0x3];
	[sflag:s3] =	ssyncset.done $0x0  }
.LBB2_3:
0xb0: {  	[sflag:s3] =	ssyncadd.s32 @p0 $0xFFFFF000  }
0xb1: {  	[tilespmem:s2], [sflag:$0x3] =	stream.linear.gather [hbm4b:s24+s2], $0x10, $0x38;
	[tilespmem:$0x6030] =	vst v63  }
0xb2: {  	_ =	swait.ge [sflag:s20], $0x10  }
0xb3: {  	[sflag:s20] =	ssyncset.done $0x0  }
0xb4: {  	[sflag:s20] =	ssyncadd.s32 $0xFFFFFFF0  }
0xb5: {  	[tilespmem:s22], [sflag:$0x3] =	stream.linear.gather [hbm4b:s19+s2], $0x10, $0x38;
	[tilespmem:$0x6030] =	vst v63  }
0xb6: {  	_ =	swait.ge [sflag:s20], $0x10  }
0xb7: {  	[sflag:s20] =	ssyncset.done $0x0  }
0xb8: {  	[sflag:s20] =	ssyncadd.s32 $0xFFFFFFF0  }
0xb9: {  	[tilespmem:s21], [sflag:$0x3] =	stream.linear.gather [hbm4b:s18+s2], $0x10, $0x38;
	[tilespmem:$0x6030] =	vst v63  }
0xba: {  	_ =	swait.ge [sflag:s20], $0x10  }
0xbb: {  	[sflag:s20] =	ssyncset.done $0x0  }
0xbc: {  	[sflag:s20] =	ssyncadd.s32 $0xFFFFFFF0  }
0xbd: {  	v0 =	vld [tilespmem:$0x0];
	_ =	sdelay $0x4  }
0xbe: {  	v0 =	vnsel vm0, $0x0, v0  }
0xbf: {  	v0 =	vxor.u32 $0x80000000, v0  }
0xc0: {  	(xrf0) =	vmax.scan.msk.u32 $0xffff, v0;
	_ =	sdelay $0x5  }
0xc1: {  	v0, _, _ =	vpop (xrf0)  }
0xc2: {  	(v2sf) =	vpush v0, $0xF;
	_ =	sdelay $0xe  }
0xc3: {  	s28 =	spop (v2sf)  }
0xc4: {  	s18 =	sand.u32 $0xFFFFFFF, s28  }
0xc5: {  	s18 =	sadd.s32 s4, s18  }
0xc6: {  	[tilespmem:s15], [sflag:$0x1] =	stream.linear.gather [hbm4b:s18+s2], $0x2000, $0x38;
	[tilespmem:$0x6030] =	vst v63  }
0xc7: {  	v62 =	vld [tilespmem:$0x10];
	_ =	sdelay $0x4  }
0xc8: {  	v0 =	vnsel vm0, $0x0, v62  }
0xc9: {  	v0 =	vxor.u32 $0x80000000, v0  }
0xca: {  	(xrf0) =	vmax.scan.msk.u32 $0xffff, v0;
	_ =	sdelay $0x5  }
0xcb: {  	v0, _, _ =	vpop (xrf0)  }
0xcc: {  	(v2sf) =	vpush v0, $0xF;
	_ =	sdelay $0xe  }
0xcd: {  	s29 =	spop (v2sf)  }
0xce: {  	s18 =	sand.u32 $0xFFFFFFF, s29  }
0xcf: {  	s18 =	sadd.s32 s4, s18  }
0xd0: {  	[tilespmem:s13], [sflag:$0x1] =	stream.linear.gather [hbm4b:s18+s2], $0x2000, $0x38;
	[tilespmem:$0x6030] =	vst v63  }
0xd1: {  	v63 =	vld [tilespmem:$0x20];
	_ =	sdelay $0x4  }
0xd2: {  	v0 =	vnsel vm0, $0x0, v63  }
0xd3: {  	v0 =	vxor.u32 $0x80000000, v0  }
0xd4: {  	(xrf0) =	vmax.scan.msk.u32 $0xffff, v0;
	_ =	sdelay $0x5  }
0xd5: {  	v0, _, _ =	vpop (xrf0)  }
0xd6: {  	(v2sf) =	vpush v0, $0xF;
	_ =	sdelay $0xe  }
0xd7: {  	s30 =	spop (v2sf)  }
0xd8: {  	s18 =	sand.u32 $0xFFFFFFF, s30  }
0xd9: {  	s31 =	sadd.s32 s4, s18  }
0xda: {  	[tilespmem:s11], [sflag:$0x1] =	stream.linear.gather [hbm4b:s31+s2], $0x2000, $0x38;
	[tilespmem:$0x6030] =	vst v63  }
0xdb: {  	_ =	swait.ge [sflag:s12], $0x2000  }
0xdc: {  	[sflag:s12] =	ssyncset.done $0x0  }
0xdd: {  	[sflag:s12] =	ssyncadd.s32 $0xFFFFE000  }
0xde: {  	[hbm4b:s9+s2] =	stream.linear.scatter [tilespmem:s17], [sflag:$0x2], $0x1000, $0x38;
	[tilespmem:$0x6030] =	vst v63  }
0xdf: {  	_ = 	snop  }
0xe0: {  	[hbm4b:s10+s2] =	stream.linear.scatter [tilespmem:s15], [sflag:$0x2], $0x1000, $0x38;
	[tilespmem:$0x6030] =	vst v63  }
0xe1: {  	_ =	swait.ge [sflag:s12], $0x2000  }
0xe2: {  	[sflag:s12] =	ssyncset.done $0x0  }
0xe3: {  	[sflag:s12] =	ssyncadd.s32 $0xFFFFE000  }
0xe4: {  	[hbm4b:s7+s2] =	stream.linear.scatter [tilespmem:s16], [sflag:$0x2], $0x1000, $0x38;
	[tilespmem:$0x6030] =	vst v63  }
0xe5: {  	_ = 	snop  }
0xe6: {  	[hbm4b:s8+s2] =	stream.linear.scatter [tilespmem:s13], [sflag:$0x2], $0x1000, $0x38;
	[tilespmem:$0x6030] =	vst v63  }
0xe7: {  	_ =	swait.ge [sflag:s12], $0x2000  }
0xe8: {  	[sflag:s12] =	ssyncset.done $0x0  }
0xe9: {  	[sflag:s12] =	ssyncadd.s32 $0xFFFFE000  }
0xea: {  	[hbm4b:s5+s2] =	stream.linear.scatter [tilespmem:s14], [sflag:$0x2], $0x1000, $0x38;
	[tilespmem:$0x6030] =	vst v63  }
0xeb: {  	_ = 	snop  }
0xec: {  	[hbm4b:s6+s2] =	stream.linear.scatter [tilespmem:s11], [sflag:$0x2], $0x1000, $0x38;
	[tilespmem:$0x6030] =	vst v63  }
0xed: {  	_ =	swait.ge [sflag:s3], $0x1000  }
0xee: {  	[sflag:s3] =	ssyncset.done $0x0  }
0xef: {  	[sflag:s3] =	ssyncadd.s32 $0xFFFFF000  }
0xf0: {  	_ =	swait.ge [sflag:s3], $0x1000  }
0xf1: {  	[sflag:s3] =	ssyncset.done $0x0  }
0xf2: {  	[sflag:s3] =	ssyncadd.s32 $0xFFFFF000  }
0xf3: {  	_ =	swait.ge [sflag:s3], $0x1000  }
0xf4: {  	[sflag:s3] =	ssyncset.done $0x0  }
0xf5: {  	[sflag:s3] =	ssyncadd.s32 $0xFFFFF000  }
0xf6: {  	_ =	swait.ge [sflag:s3], $0x1000  }
0xf7: {  	[sflag:s3] =	ssyncset.done $0x0  }
0xf8: {  	[sflag:s3] =	ssyncadd.s32 $0xFFFFF000  }
0xf9: {  	_ =	swait.ge [sflag:s3], $0x1000  }
0xfa: {  	[sflag:s3] =	ssyncset.done $0x0  }
0xfb: {  	[sflag:s3] =	ssyncadd.s32 $0xFFFFF000  }
0xfc: {  	_ =	swait.ge [sflag:s3], $0x1000  }
0xfd: {  	[sflag:s3] =	ssyncset.done $0x0  }
0xfe: {  	[sflag:s3] =	ssyncadd.s32 $0xFFFFF000  }
0xff: {  	_ =	sfence.sel $0x180000  }
0x100: {  	[bflag:$0x0] =	sbarrier.arrive $0xFFFF  }
0x101: {  	p0 =	sne.s32 s1, $0x0;
	_ =	strace $0x90000047  }
0x102: {  	s0 =	sadd.s32 @!p0 $0x100000, s0;
	[bflag:$0x2] =	sbarrier.arrive $0xFFFF  }
0x103: {  	[sflag:s0] =	ssyncadd.tile.s32 @!p0 $0x1;
	_ =	shalt  }
.Lfunc_end2:
_tile_overlayer_lowered:
.L_overlay_start_2:
0x104: {  	(tag) =	ssettag $0x2  }
0x105: {  	s0 =	rddreg [dreg:$0x0];
	s2 =	stileid.u32  }
0x106: {  	s1 =	rddreg [dreg:$0x1];
	p0 =	sne.s32 s2, $0x0  }
0x107: {  	s3 =	rddreg [dreg:$0x2];
	[bflag:$0x3] =	sbarrier.arrive $0xFFFF;
	s2 =	simm.s32 @!p0 $0x1C03  }
0x108: {  	[timem:s3], [sflag:s2] =	dma.local @!p0 [hbm:s0], s1  }
0x109: {  	s0 =	simm.s32 @!p0 $0x3  }
0x10a: {  	_ =	swait.ge @!p0 [sflag:s0], s1  }
0x10b: {  	s1 =	ssub.s32 @!p0 $0x0, s1;
	[sflag:s0] =	ssyncset.done @!p0 $0x0  }
0x10c: {  	[sflag:s0] =	ssyncadd.s32 @!p0 s1  }
0x10d: {  	[bflag:$0x3] =	sbarrier.arrive $0xFFFF  }
0x10e: {  	_ =	shalt  }

</sc_bundles>
